<compile_context>
chip_gen: v7x
topology: tpu7x:2x2x1
jax: 0.10.2.dev20260603
libtpu: 0.0.44.dev20260713+nightly
codegen_flags: <defaults>
</compile_context>

<pallas_src>
import functools

import jax
import jax.numpy as jnp
from jax import lax
from jax.experimental import pallas as pl
from jax.experimental.pallas import tpu as pltpu
from jax.experimental.pallas import tpu_sc as plsc

N_NODES = 10000
N_PAD = 10240
N_EDGES = 320000
E_PAD = 327680
E_ROWS = 2560
W_PER_SUB = 80
ROWS_PER_SUB = 640
NC, NS = 2, 16

D_IN = 128
D_HID = 64
D_L2 = 48
D_OUT = 40

_sc_mesh = plsc.VectorSubcoreMesh(
    core_axis_name="c", subcore_axis_name="s", num_cores=NC, num_subcores=NS
)


def _make_sc_segsum(D, with_deg, _RING):

    out_type = [jax.ShapeDtypeStruct((NC, N_PAD, D), jnp.float32)]
    scratch = [
        pltpu.VMEM((W_PER_SUB, 128), jnp.int32),
        pltpu.VMEM((W_PER_SUB, 128), jnp.int32),
        pltpu.VMEM((_RING, 128, D), jnp.float32),
        pltpu.VMEM_SHARED((N_PAD, D), jnp.float32),
        pltpu.VMEM_SHARED((N_PAD, D), jnp.float32),
    ]
    scratch += [pltpu.SemaphoreType.DMA] * (_RING + 6)
    if with_deg:
        out_type.append(jax.ShapeDtypeStruct((NC, N_PAD, 16), jnp.float32))
        scratch += [
            pltpu.VMEM((128, 16), jnp.float32),
            pltpu.VMEM_SHARED((N_PAD, 16), jnp.float32),
        ]

    def body(*refs):
        if with_deg:
            (table, srcm, dstm, zD, z16, ones_h,
             acc_out, deg_out,
             sidx, didx, rows, acc_sh, table_sh, *rest) = refs
            gsems = rest[:_RING]
            isems = rest[_RING:_RING + 6]
            ones_v, deg_sh = rest[_RING + 6:]
        else:
            (table, srcm, dstm, zD,
             acc_out,
             sidx, didx, rows, acc_sh, table_sh, *rest) = refs
            gsems = rest[:_RING]
            isems = rest[_RING:_RING + 6]

        cid = lax.axis_index("c")
        sid = lax.axis_index("s")
        wid = cid * NS + sid

        r0 = sid * ROWS_PER_SUB
        base = wid * W_PER_SUB
        ih = [
            pltpu.async_copy(zD.at[pl.ds(r0, ROWS_PER_SUB)],
                             acc_sh.at[pl.ds(r0, ROWS_PER_SUB)], isems[0]),
            pltpu.async_copy(table.at[pl.ds(r0, ROWS_PER_SUB)],
                             table_sh.at[pl.ds(r0, ROWS_PER_SUB)], isems[1]),
            pltpu.async_copy(srcm.at[pl.ds(base, W_PER_SUB)], sidx, isems[2]),
            pltpu.async_copy(dstm.at[pl.ds(base, W_PER_SUB)], didx, isems[3]),
        ]
        if with_deg:
            ih.append(pltpu.async_copy(z16.at[pl.ds(r0, ROWS_PER_SUB)],
                                       deg_sh.at[pl.ds(r0, ROWS_PER_SUB)],
                                       isems[4]))
            ih.append(pltpu.async_copy(ones_h, ones_v, isems[5]))
        for h in ih:
            h.wait()
        plsc.subcore_barrier()

        @pl.loop(0, W_PER_SUB, step=_RING)
        def _(j):
            gh = [
                pltpu.async_copy(table_sh.at[sidx.at[j + k]], rows.at[k],
                                 gsems[k])
                for k in range(_RING)
            ]
            for k in range(_RING):
                gh[k].wait()
                pltpu.sync_copy(rows.at[k], acc_sh.at[didx.at[j + k]],
                                add=True)
                if with_deg:
                    pltpu.sync_copy(ones_v, deg_sh.at[didx.at[j + k]],
                                    add=True)

        plsc.subcore_barrier()

        oh = [pltpu.async_copy(acc_sh.at[pl.ds(r0, ROWS_PER_SUB)],
                               acc_out.at[cid, pl.ds(r0, ROWS_PER_SUB)],
                               isems[0])]
        if with_deg:
            oh.append(pltpu.async_copy(deg_sh.at[pl.ds(r0, ROWS_PER_SUB)],
                                       deg_out.at[cid, pl.ds(r0, ROWS_PER_SUB)],
                                       isems[1]))
        for h in oh:
            h.wait()

    return pl.kernel(
        body,
        out_type=tuple(out_type) if with_deg else out_type[0],
        mesh=_sc_mesh,
        scratch_types=scratch,
        compiler_params=pltpu.CompilerParams(use_tc_tiling_on_sc=False),
    )


_BLK = 5120


def _mm_body(x_ref, w_ref, b_ref, o1_ref, o2_ref):
    t = (jnp.dot(x_ref[...], w_ref[...], preferred_element_type=jnp.float32)
         + b_ref[...])
    o1_ref[...] = t[:, :D_HID]
    o2_ref[...] = t[:, D_HID:]


def _tc_matmul(xp, W, b):
    K = xp.shape[1]
    return pl.pallas_call(
        _mm_body,
        grid=(N_PAD // _BLK,),
        in_specs=[
            pl.BlockSpec((_BLK, K), lambda i: (i, 0)),
            pl.BlockSpec((K, 128), lambda i: (0, 0)),
            pl.BlockSpec((1, 128), lambda i: (0, 0)),
        ],
        out_specs=[pl.BlockSpec((_BLK, D_HID), lambda i: (i, 0)),
                   pl.BlockSpec((_BLK, D_HID), lambda i: (i, 0))],
        out_shape=[jax.ShapeDtypeStruct((N_PAD, D_HID), jnp.float32),
                   jax.ShapeDtypeStruct((N_PAD, D_HID), jnp.float32)],
    )(xp, W, b)


def _mid_body(a0, a1, g0, g1, xr, w_ref, b_ref, o_ref, o2_ref):
    deg = g0[...][:, 0:1] + g1[...][:, 0:1]
    dinv = 1.0 / jnp.maximum(deg, 1.0)
    h = jnp.maximum((a0[...] + a1[...]) * dinv + xr[...], 0.0)
    t = (jnp.dot(h, w_ref[...], preferred_element_type=jnp.float32)
         + b_ref[...])
    o_ref[...] = t[:, :D_L2]
    o2_ref[...] = t[:, D_L2:D_L2 + D_OUT]


def _tc_mid(a0, a1, g0, g1, xr, W, b):
    return pl.pallas_call(
        _mid_body,
        grid=(N_PAD // _BLK,),
        in_specs=[
            pl.BlockSpec((_BLK, D_HID), lambda i: (i, 0)),
            pl.BlockSpec((_BLK, D_HID), lambda i: (i, 0)),
            pl.BlockSpec((_BLK, 16), lambda i: (i, 0)),
            pl.BlockSpec((_BLK, 16), lambda i: (i, 0)),
            pl.BlockSpec((_BLK, D_HID), lambda i: (i, 0)),
            pl.BlockSpec((D_HID, 128), lambda i: (0, 0)),
            pl.BlockSpec((1, 128), lambda i: (0, 0)),
        ],
        out_specs=[pl.BlockSpec((_BLK, D_L2), lambda i: (i, 0)),
                   pl.BlockSpec((_BLK, D_OUT), lambda i: (i, 0))],
        out_shape=[jax.ShapeDtypeStruct((N_PAD, D_L2), jnp.float32),
                   jax.ShapeDtypeStruct((N_PAD, D_OUT), jnp.float32)],
    )(a0, a1, g0, g1, xr, W, b)


def _final_body(a0, a1, g0, g1, hr, o_ref):
    deg = g0[...][:, 0:1] + g1[...][:, 0:1]
    dinv = 1.0 / jnp.maximum(deg, 1.0)
    m = (a0[...] + a1[...])[:, :D_OUT] * dinv + hr[...]
    z = m - jnp.max(m, axis=1, keepdims=True)
    o_ref[...] = z - jnp.log(jnp.sum(jnp.exp(z), axis=1, keepdims=True))


def _tc_final(a0, a1, g0, g1, hr):
    return pl.pallas_call(
        _final_body,
        grid=(N_PAD // _BLK,),
        in_specs=[
            pl.BlockSpec((_BLK, D_L2), lambda i: (i, 0)),
            pl.BlockSpec((_BLK, D_L2), lambda i: (i, 0)),
            pl.BlockSpec((_BLK, 16), lambda i: (i, 0)),
            pl.BlockSpec((_BLK, 16), lambda i: (i, 0)),
            pl.BlockSpec((_BLK, D_OUT), lambda i: (i, 0)),
        ],
        out_specs=pl.BlockSpec((_BLK, D_OUT), lambda i: (i, 0)),
        out_shape=jax.ShapeDtypeStruct((N_PAD, D_OUT), jnp.float32),
    )(a0, a1, g0, g1, hr)


_sc_seg1 = _make_sc_segsum(D_HID, with_deg=True, _RING=2)
_sc_seg2 = _make_sc_segsum(D_L2, with_deg=False, _RING=4)


def kernel(x, edge_index, W1_l, b1, W1_r, W2_l, b2, W2_r):
    f32 = jnp.float32
    xp = jnp.pad(x, ((0, N_PAD - N_NODES), (0, 0)))
    src = edge_index[0]
    dst = edge_index[1]
    n_extra = E_PAD - N_EDGES
    pad_src = jnp.zeros((n_extra,), jnp.int32)
    pad_dst = N_NODES + (jnp.arange(n_extra, dtype=jnp.int32) % (N_PAD - N_NODES))
    srcm = jnp.concatenate([src, pad_src]).reshape(E_ROWS, 128)
    dstm = jnp.concatenate([dst, pad_dst]).reshape(E_ROWS, 128)

    W1cat = jnp.concatenate([W1_l.T, W1_r.T], axis=1)
    b1cat = jnp.concatenate([jnp.zeros((64,), f32), b1]).reshape(1, 128)
    W2l_pad = jnp.pad(W2_l, ((0, D_L2 - D_OUT), (0, 0)))
    W2cat = jnp.concatenate(
        [W2l_pad.T, W2_r.T, jnp.zeros((D_HID, 128 - D_L2 - D_OUT), f32)], axis=1
    )
    b2cat = jnp.concatenate(
        [jnp.zeros((D_L2,), f32), b2, jnp.zeros((128 - D_L2 - D_OUT,), f32)]
    ).reshape(1, 128)

    z64 = jnp.zeros((N_PAD, D_HID), f32)
    z48 = jnp.zeros((N_PAD, D_L2), f32)
    z16 = jnp.zeros((N_PAD, 16), f32)
    ones16 = jnp.ones((128, 16), f32)

    y1, xr = _tc_matmul(xp, W1cat, b1cat)
    acc1, deg = _sc_seg1(y1, srcm, dstm, z64, z16, ones16)

    y2, hr = _tc_mid(acc1[0], acc1[1], deg[0], deg[1], xr, W2cat, b2cat)
    acc2 = _sc_seg2(y2, srcm, dstm, z48)

    out = _tc_final(acc2[0], acc2[1], deg[0], deg[1], hr)
    return out[:N_NODES]

# --- scband reference (transcript-rebuilt; emitter-appended) ---
"""Pipeline reference for scband-sage-46772193853511 (READ-ONLY COPY).

The authoritative reference and input builder live on the scoring server;
editing this copy changes nothing except your own understanding.
"""

import jax, jax.numpy as jnp
import numpy as np

N_NODES = 10000
N_EDGES = 320000
D_IN = 128
D_HID = 64
D_OUT = 40


def sage_conv(x, edge_index, W_l, b_l, W_r):
    # PyG SAGEConv (aggr='mean'): out = lin_l(mean_j x_j) + lin_r(x)
    src = edge_index[0]
    dst = edge_index[1]
    n = x.shape[0]
    msgs = jnp.take(x, src, axis=0)
    summed = jax.ops.segment_sum(msgs, dst, num_segments=n)
    deg = jax.ops.segment_sum(jnp.ones((src.shape[0],), x.dtype), dst, num_segments=n)
    mean = summed / jnp.maximum(deg, 1.0)[:, None]
    return mean @ W_l.T + b_l + x @ W_r.T


def setup_inputs(seed: int = 0) -> dict:
    key = jax.random.key(seed)
    ks = jax.random.split(key, 8)
    x = jax.random.normal(ks[0], (N_NODES, D_IN), dtype=jnp.float32)
    edge_index = jax.random.randint(ks[1], (2, N_EDGES), 0, N_NODES, dtype=jnp.int32)
    s1 = 1.0 / np.sqrt(D_IN)
    s2 = 1.0 / np.sqrt(D_HID)
    W1_l = jax.random.uniform(ks[2], (D_HID, D_IN), jnp.float32, -s1, s1)
    b1 = jax.random.uniform(ks[3], (D_HID,), jnp.float32, -s1, s1)
    W1_r = jax.random.uniform(ks[4], (D_HID, D_IN), jnp.float32, -s1, s1)
    W2_l = jax.random.uniform(ks[5], (D_OUT, D_HID), jnp.float32, -s2, s2)
    b2 = jax.random.uniform(ks[6], (D_OUT,), jnp.float32, -s2, s2)
    W2_r = jax.random.uniform(ks[7], (D_OUT, D_HID), jnp.float32, -s2, s2)
    return {"x": x, "edge_index": edge_index, "W1_l": W1_l, "b1": b1, "W1_r": W1_r, "W2_l": W2_l, "b2": b2, "W2_r": W2_r}


def reference(x, edge_index, W1_l, b1, W1_r, W2_l, b2, W2_r):
    h = sage_conv(x, edge_index, W1_l, b1, W1_r)
    h = jax.nn.relu(h)
    h = sage_conv(h, edge_index, W2_l, b2, W2_r)
    return jax.nn.log_softmax(h, axis=1)

if __name__ == "__main__":
    import jax
    _d = setup_inputs()
    print(jax.jit(kernel)(*tuple(_d.values())))

</pallas_src>

<mosaic_0001>
#map = affine_map<(d0, d1) -> (0, 0)>
#map1 = affine_map<(d0, d1) -> (0, 0, 0)>
module attributes {stable_mosaic.version = 14 : i64} {
  func.func @body(%arg0: i32, %arg1: i32, %arg2: memref<10240x64xf32, #tpu.memory_space<hbm>>, %arg3: memref<2560x128xi32, #tpu.memory_space<hbm>>, %arg4: memref<2560x128xi32, #tpu.memory_space<hbm>>, %arg5: memref<10240x64xf32, #tpu.memory_space<hbm>>, %arg6: memref<10240x16xf32, #tpu.memory_space<hbm>>, %arg7: memref<128x16xf32, #tpu.memory_space<hbm>>, %arg8: memref<2x10240x64xf32, #tpu.memory_space<hbm>>, %arg9: memref<2x10240x16xf32, #tpu.memory_space<hbm>>, %arg10: memref<80x128xi32, #tpu.memory_space<vmem>>, %arg11: memref<80x128xi32, #tpu.memory_space<vmem>>, %arg12: memref<2x128x64xf32, #tpu.memory_space<vmem>>, %arg13: memref<10240x64xf32, #tpu.memory_space<vmem_shared>>, %arg14: memref<10240x64xf32, #tpu.memory_space<vmem_shared>>, %arg15: memref<!tpu.dma_semaphore, #tpu.memory_space<semaphore_mem>>, %arg16: memref<!tpu.dma_semaphore, #tpu.memory_space<semaphore_mem>>, %arg17: memref<!tpu.dma_semaphore, #tpu.memory_space<semaphore_mem>>, %arg18: memref<!tpu.dma_semaphore, #tpu.memory_space<semaphore_mem>>, %arg19: memref<!tpu.dma_semaphore, #tpu.memory_space<semaphore_mem>>, %arg20: memref<!tpu.dma_semaphore, #tpu.memory_space<semaphore_mem>>, %arg21: memref<!tpu.dma_semaphore, #tpu.memory_space<semaphore_mem>>, %arg22: memref<!tpu.dma_semaphore, #tpu.memory_space<semaphore_mem>>, %arg23: memref<128x16xf32, #tpu.memory_space<vmem>>, %arg24: memref<10240x16xf32, #tpu.memory_space<vmem_shared>>) attributes {dimension_semantics = [#tpu.dimension_semantics<core_parallel>, #tpu.dimension_semantics<subcore_parallel>], iteration_bounds = array<i64: 2, 16>, scalar_prefetch = 0 : i64, scratch_operands = 15 : i64, tpu.core_type = #tpu.core_type<sc_vector_subcore>, window_params = [{transform_indices = #map}, {transform_indices = #map}, {transform_indices = #map}, {transform_indices = #map}, {transform_indices = #map}, {transform_indices = #map}, {transform_indices = #map1}, {transform_indices = #map1}]} {
    %mul3A = arith.constant 16 : i32
    %mul3A_0 = arith.muli %arg0, %mul3A : i32
    %add3A = arith.addi %mul3A_0, %arg1 : i32
    %mul3A_1 = arith.constant 640 : i32
    %mul3A_2 = arith.muli %arg1, %mul3A_1 : i32
    %mul3A_3 = arith.constant 80 : i32
    %mul3A_4 = arith.muli %add3A, %mul3A_3 : i32
    %dma_start3A = arith.constant 0 : i32
    %dma_start3A_5 = tpu.memref_slice %arg13[%mul3A_2, %dma_start3A] : memref<10240x64xf32, #tpu.memory_space<vmem_shared>> -> memref<640x64xf32, #tpu.memory_space<vmem_shared>>
    %dma_start3A_6 = arith.constant 0 : i32
    %dma_start3A_7 = tpu.memref_slice %arg5[%mul3A_2, %dma_start3A_6] : memref<10240x64xf32, #tpu.memory_space<hbm>> -> memref<640x64xf32, #tpu.memory_space<hbm>>
    tpu.enqueue_dma source(%dma_start3A_7 : memref<640x64xf32, #tpu.memory_space<hbm>>) target(%dma_start3A_5 : memref<640x64xf32, #tpu.memory_space<vmem_shared>>) target_semaphore(%arg17 : memref<!tpu.dma_semaphore, #tpu.memory_space<semaphore_mem>>)
    %dma_start3A_8 = arith.constant 0 : i32
    %dma_start3A_9 = tpu.memref_slice %arg14[%mul3A_2, %dma_start3A_8] : memref<10240x64xf32, #tpu.memory_space<vmem_shared>> -> memref<640x64xf32, #tpu.memory_space<vmem_shared>>
    %dma_start3A_10 = arith.constant 0 : i32
    %dma_start3A_11 = tpu.memref_slice %arg2[%mul3A_2, %dma_start3A_10] : memref<10240x64xf32, #tpu.memory_space<hbm>> -> memref<640x64xf32, #tpu.memory_space<hbm>>
    tpu.enqueue_dma source(%dma_start3A_11 : memref<640x64xf32, #tpu.memory_space<hbm>>) target(%dma_start3A_9 : memref<640x64xf32, #tpu.memory_space<vmem_shared>>) target_semaphore(%arg18 : memref<!tpu.dma_semaphore, #tpu.memory_space<semaphore_mem>>)
    %dma_start3A_12 = arith.constant 0 : i32
    %dma_start3A_13 = tpu.memref_slice %arg3[%mul3A_4, %dma_start3A_12] : memref<2560x128xi32, #tpu.memory_space<hbm>> -> memref<80x128xi32, #tpu.memory_space<hbm>>
    %dma_start3A_14 = arith.constant 0 : i32
    %dma_start3A_15 = tpu.memref_slice %arg3[%mul3A_4, %dma_start3A_14] : memref<2560x128xi32, #tpu.memory_space<hbm>> -> memref<80x128xi32, #tpu.memory_space<hbm>>
    tpu.enqueue_dma source(%dma_start3A_15 : memref<80x128xi32, #tpu.memory_space<hbm>>) target(%arg10 : memref<80x128xi32, #tpu.memory_space<vmem>>) target_semaphore(%arg19 : memref<!tpu.dma_semaphore, #tpu.memory_space<semaphore_mem>>)
    %dma_start3A_16 = arith.constant 0 : i32
    %dma_start3A_17 = tpu.memref_slice %arg4[%mul3A_4, %dma_start3A_16] : memref<2560x128xi32, #tpu.memory_space<hbm>> -> memref<80x128xi32, #tpu.memory_space<hbm>>
    %dma_start3A_18 = arith.constant 0 : i32
    %dma_start3A_19 = tpu.memref_slice %arg4[%mul3A_4, %dma_start3A_18] : memref<2560x128xi32, #tpu.memory_space<hbm>> -> memref<80x128xi32, #tpu.memory_space<hbm>>
    tpu.enqueue_dma source(%dma_start3A_19 : memref<80x128xi32, #tpu.memory_space<hbm>>) target(%arg11 : memref<80x128xi32, #tpu.memory_space<vmem>>) target_semaphore(%arg20 : memref<!tpu.dma_semaphore, #tpu.memory_space<semaphore_mem>>)
    %dma_start3A_20 = arith.constant 0 : i32
    %dma_start3A_21 = tpu.memref_slice %arg24[%mul3A_2, %dma_start3A_20] : memref<10240x16xf32, #tpu.memory_space<vmem_shared>> -> memref<640x16xf32, #tpu.memory_space<vmem_shared>>
    %dma_start3A_22 = arith.constant 0 : i32
    %dma_start3A_23 = tpu.memref_slice %arg6[%mul3A_2, %dma_start3A_22] : memref<10240x16xf32, #tpu.memory_space<hbm>> -> memref<640x16xf32, #tpu.memory_space<hbm>>
    tpu.enqueue_dma source(%dma_start3A_23 : memref<640x16xf32, #tpu.memory_space<hbm>>) target(%dma_start3A_21 : memref<640x16xf32, #tpu.memory_space<vmem_shared>>) target_semaphore(%arg21 : memref<!tpu.dma_semaphore, #tpu.memory_space<semaphore_mem>>)
    tpu.enqueue_dma source(%arg7 : memref<128x16xf32, #tpu.memory_space<hbm>>) target(%arg23 : memref<128x16xf32, #tpu.memory_space<vmem>>) target_semaphore(%arg22 : memref<!tpu.dma_semaphore, #tpu.memory_space<semaphore_mem>>)
    %dma_wait3A = arith.constant 0 : i32
    %dma_wait3A_24 = tpu.memref_slice %arg13[%mul3A_2, %dma_wait3A] : memref<10240x64xf32, #tpu.memory_space<vmem_shared>> -> memref<640x64xf32, #tpu.memory_space<vmem_shared>>
    %dma_wait3A_25 = arith.constant 0 : i32
    %dma_wait3A_26 = tpu.memref_slice %arg5[%mul3A_2, %dma_wait3A_25] : memref<10240x64xf32, #tpu.memory_space<hbm>> -> memref<640x64xf32, #tpu.memory_space<hbm>>
    tpu.wait_dma2 semaphore(%arg17 : memref<!tpu.dma_semaphore, #tpu.memory_space<semaphore_mem>>) src(%dma_wait3A_26 : memref<640x64xf32, #tpu.memory_space<hbm>>) dst(%dma_wait3A_24 : memref<640x64xf32, #tpu.memory_space<vmem_shared>>)
    %dma_wait3A_27 = arith.constant 0 : i32
    %dma_wait3A_28 = tpu.memref_slice %arg14[%mul3A_2, %dma_wait3A_27] : memref<10240x64xf32, #tpu.memory_space<vmem_shared>> -> memref<640x64xf32, #tpu.memory_space<vmem_shared>>
    %dma_wait3A_29 = arith.constant 0 : i32
    %dma_wait3A_30 = tpu.memref_slice %arg2[%mul3A_2, %dma_wait3A_29] : memref<10240x64xf32, #tpu.memory_space<hbm>> -> memref<640x64xf32, #tpu.memory_space<hbm>>
    tpu.wait_dma2 semaphore(%arg18 : memref<!tpu.dma_semaphore, #tpu.memory_space<semaphore_mem>>) src(%dma_wait3A_30 : memref<640x64xf32, #tpu.memory_space<hbm>>) dst(%dma_wait3A_28 : memref<640x64xf32, #tpu.memory_space<vmem_shared>>)
    %dma_wait3A_31 = arith.constant 0 : i32
    %dma_wait3A_32 = tpu.memref_slice %arg3[%mul3A_4, %dma_wait3A_31] : memref<2560x128xi32, #tpu.memory_space<hbm>> -> memref<80x128xi32, #tpu.memory_space<hbm>>
    %dma_wait3A_33 = arith.constant 0 : i32
    %dma_wait3A_34 = tpu.memref_slice %arg3[%mul3A_4, %dma_wait3A_33] : memref<2560x128xi32, #tpu.memory_space<hbm>> -> memref<80x128xi32, #tpu.memory_space<hbm>>
    tpu.wait_dma2 semaphore(%arg19 : memref<!tpu.dma_semaphore, #tpu.memory_space<semaphore_mem>>) src(%dma_wait3A_34 : memref<80x128xi32, #tpu.memory_space<hbm>>) dst(%arg10 : memref<80x128xi32, #tpu.memory_space<vmem>>)
    %dma_wait3A_35 = arith.constant 0 : i32
    %dma_wait3A_36 = tpu.memref_slice %arg4[%mul3A_4, %dma_wait3A_35] : memref<2560x128xi32, #tpu.memory_space<hbm>> -> memref<80x128xi32, #tpu.memory_space<hbm>>
    %dma_wait3A_37 = arith.constant 0 : i32
    %dma_wait3A_38 = tpu.memref_slice %arg4[%mul3A_4, %dma_wait3A_37] : memref<2560x128xi32, #tpu.memory_space<hbm>> -> memref<80x128xi32, #tpu.memory_space<hbm>>
    tpu.wait_dma2 semaphore(%arg20 : memref<!tpu.dma_semaphore, #tpu.memory_space<semaphore_mem>>) src(%dma_wait3A_38 : memref<80x128xi32, #tpu.memory_space<hbm>>) dst(%arg11 : memref<80x128xi32, #tpu.memory_space<vmem>>)
    %dma_wait3A_39 = arith.constant 0 : i32
    %dma_wait3A_40 = tpu.memref_slice %arg24[%mul3A_2, %dma_wait3A_39] : memref<10240x16xf32, #tpu.memory_space<vmem_shared>> -> memref<640x16xf32, #tpu.memory_space<vmem_shared>>
    %dma_wait3A_41 = arith.constant 0 : i32
    %dma_wait3A_42 = tpu.memref_slice %arg6[%mul3A_2, %dma_wait3A_41] : memref<10240x16xf32, #tpu.memory_space<hbm>> -> memref<640x16xf32, #tpu.memory_space<hbm>>
    tpu.wait_dma2 semaphore(%arg21 : memref<!tpu.dma_semaphore, #tpu.memory_space<semaphore_mem>>) src(%dma_wait3A_42 : memref<640x16xf32, #tpu.memory_space<hbm>>) dst(%dma_wait3A_40 : memref<640x16xf32, #tpu.memory_space<vmem_shared>>)
    tpu.wait_dma2 semaphore(%arg22 : memref<!tpu.dma_semaphore, #tpu.memory_space<semaphore_mem>>) src(%arg7 : memref<128x16xf32, #tpu.memory_space<hbm>>) dst(%arg23 : memref<128x16xf32, #tpu.memory_space<vmem>>)
    %barrier3A = arith.constant 0 : index
    tpu.barrier barrier_id(%barrier3A)
    %scan3A = arith.constant 0 : i32
    %scan3A_43 = arith.constant 40 : i32
    %scan3A_44 = arith.addi %scan3A, %scan3A_43 : i32
    %scan3A_45 = arith.constant 1 : i32
    scf.for %scan3A_68 = %scan3A to %scan3A_44 step %scan3A_45  : i32 {
      %mul3A_69 = arith.constant 2 : i32
      %mul3A_70 = arith.muli %scan3A_68, %mul3A_69 : i32
      %add3A_71 = arith.constant 0 : i32
      %add3A_72 = arith.addi %add3A_71, %mul3A_70 : i32
      %add3A_73 = arith.constant 0 : i32
      %add3A_74 = arith.addi %add3A_72, %add3A_73 : i32
      %dma_start3A_75 = arith.constant 0 : i32
      %dma_start3A_76 = arith.constant 0 : i32
      %dma_start3A_77 = arith.constant 0 : i32
      %dma_start3A_78 = tpu.memref_slice %arg12[%dma_start3A_75, %dma_start3A_76, %dma_start3A_77] : memref<2x128x64xf32, #tpu.memory_space<vmem>> -> memref<1x128x64xf32, #tpu.memory_space<vmem>>
      %dma_start3A_79 = tpu.memref_squeeze %dma_start3A_78 : memref<1x128x64xf32, #tpu.memory_space<vmem>> -> memref<128x64xf32, #tpu.memory_space<vmem>>
      %dma_start3A_80 = arith.constant 0 : i32
      %dma_start3A_81 = tpu.memref_slice %arg10[%add3A_74, %dma_start3A_80] : memref<80x128xi32, #tpu.memory_space<vmem>> -> memref<1x128xi32, #tpu.memory_space<vmem>>
      %dma_start3A_82 = tpu.memref_squeeze %dma_start3A_81 : memref<1x128xi32, #tpu.memory_space<vmem>> -> memref<128xi32, #tpu.memory_space<vmem>>
      %dma_start3A_83 = arith.constant 0 : i32
      %dma_start3A_84 = arith.constant 0 : i32
      %dma_start3A_85 = tpu.memref_slice %arg14[%dma_start3A_83, %dma_start3A_84] : memref<10240x64xf32, #tpu.memory_space<vmem_shared>> -> memref<10240x64xf32, #tpu.memory_space<vmem_shared>>
      tpu.enqueue_indirect_dma source(%dma_start3A_85 : memref<10240x64xf32, #tpu.memory_space<vmem_shared>>) target(%dma_start3A_79 : memref<128x64xf32, #tpu.memory_space<vmem>>) offsets(%dma_start3A_82 : memref<128xi32, #tpu.memory_space<vmem>>) semaphore(%arg15 : memref<!tpu.dma_semaphore, #tpu.memory_space<semaphore_mem>>)
      %add3A_86 = arith.constant 1 : i32
      %add3A_87 = arith.addi %add3A_72, %add3A_86 : i32
      %dma_start3A_88 = arith.constant 1 : i32
      %dma_start3A_89 = arith.constant 0 : i32
      %dma_start3A_90 = arith.constant 0 : i32
      %dma_start3A_91 = tpu.memref_slice %arg12[%dma_start3A_88, %dma_start3A_89, %dma_start3A_90] : memref<2x128x64xf32, #tpu.memory_space<vmem>> -> memref<1x128x64xf32, #tpu.memory_space<vmem>>
      %dma_start3A_92 = tpu.memref_squeeze %dma_start3A_91 : memref<1x128x64xf32, #tpu.memory_space<vmem>> -> memref<128x64xf32, #tpu.memory_space<vmem>>
      %dma_start3A_93 = arith.constant 0 : i32
      %dma_start3A_94 = tpu.memref_slice %arg10[%add3A_87, %dma_start3A_93] : memref<80x128xi32, #tpu.memory_space<vmem>> -> memref<1x128xi32, #tpu.memory_space<vmem>>
      %dma_start3A_95 = tpu.memref_squeeze %dma_start3A_94 : memref<1x128xi32, #tpu.memory_space<vmem>> -> memref<128xi32, #tpu.memory_space<vmem>>
      %dma_start3A_96 = arith.constant 0 : i32
      %dma_start3A_97 = arith.constant 0 : i32
      %dma_start3A_98 = tpu.memref_slice %arg14[%dma_start3A_96, %dma_start3A_97] : memref<10240x64xf32, #tpu.memory_space<vmem_shared>> -> memref<10240x64xf32, #tpu.memory_space<vmem_shared>>
      tpu.enqueue_indirect_dma source(%dma_start3A_98 : memref<10240x64xf32, #tpu.memory_space<vmem_shared>>) target(%dma_start3A_92 : memref<128x64xf32, #tpu.memory_space<vmem>>) offsets(%dma_start3A_95 : memref<128xi32, #tpu.memory_space<vmem>>) semaphore(%arg16 : memref<!tpu.dma_semaphore, #tpu.memory_space<semaphore_mem>>)
      %dma_wait3A_99 = arith.constant 0 : i32
      %dma_wait3A_100 = arith.constant 0 : i32
      %dma_wait3A_101 = arith.constant 0 : i32
      %dma_wait3A_102 = tpu.memref_slice %arg12[%dma_wait3A_99, %dma_wait3A_100, %dma_wait3A_101] : memref<2x128x64xf32, #tpu.memory_space<vmem>> -> memref<1x128x64xf32, #tpu.memory_space<vmem>>
      %dma_wait3A_103 = tpu.memref_squeeze %dma_wait3A_102 : memref<1x128x64xf32, #tpu.memory_space<vmem>> -> memref<128x64xf32, #tpu.memory_space<vmem>>
      %dma_wait3A_104 = arith.constant 0 : i32
      %dma_wait3A_105 = tpu.memref_slice %arg10[%add3A_74, %dma_wait3A_104] : memref<80x128xi32, #tpu.memory_space<vmem>> -> memref<1x128xi32, #tpu.memory_space<vmem>>
      %dma_wait3A_106 = tpu.memref_squeeze %dma_wait3A_105 : memref<1x128xi32, #tpu.memory_space<vmem>> -> memref<128xi32, #tpu.memory_space<vmem>>
      %dma_wait3A_107 = arith.constant 0 : i32
      %dma_wait3A_108 = arith.constant 0 : i32
      %dma_wait3A_109 = tpu.memref_slice %arg14[%dma_wait3A_107, %dma_wait3A_108] : memref<10240x64xf32, #tpu.memory_space<vmem_shared>> -> memref<10240x64xf32, #tpu.memory_space<vmem_shared>>
      tpu.wait_indirect_dma semaphore(%arg15 : memref<!tpu.dma_semaphore, #tpu.memory_space<semaphore_mem>>) src(%dma_wait3A_109 : memref<10240x64xf32, #tpu.memory_space<vmem_shared>>) dst(%dma_wait3A_103 : memref<128x64xf32, #tpu.memory_space<vmem>>)
      %add3A_110 = arith.constant 0 : i32
      %add3A_111 = arith.addi %add3A_72, %add3A_110 : i32
      %run_scoped3A = arith.constant 0 : i32
      "tpu.region"() ({
        %run_scoped3A_130 = tpu.sem_alloc : memref<!tpu.dma_semaphore, #tpu.memory_space<semaphore_mem>>
        %dma_start3A_131 = arith.constant 0 : i32
        %dma_start3A_132 = arith.constant 0 : i32
        %dma_start3A_133 = tpu.memref_slice %arg12[%run_scoped3A, %dma_start3A_131, %dma_start3A_132] : memref<2x128x64xf32, #tpu.memory_space<vmem>> -> memref<1x128x64xf32, #tpu.memory_space<vmem>>
        %dma_start3A_134 = tpu.memref_squeeze %dma_start3A_133 : memref<1x128x64xf32, #tpu.memory_space<vmem>> -> memref<128x64xf32, #tpu.memory_space<vmem>>
        %dma_start3A_135 = arith.constant 0 : i32
        %dma_start3A_136 = tpu.memref_slice %arg11[%add3A_111, %dma_start3A_135] : memref<80x128xi32, #tpu.memory_space<vmem>> -> memref<1x128xi32, #tpu.memory_space<vmem>>
        %dma_start3A_137 = tpu.memref_squeeze %dma_start3A_136 : memref<1x128xi32, #tpu.memory_space<vmem>> -> memref<128xi32, #tpu.memory_space<vmem>>
        %dma_start3A_138 = arith.constant 0 : i32
        %dma_start3A_139 = arith.constant 0 : i32
        %dma_start3A_140 = tpu.memref_slice %arg13[%dma_start3A_138, %dma_start3A_139] : memref<10240x64xf32, #tpu.memory_space<vmem_shared>> -> memref<10240x64xf32, #tpu.memory_space<vmem_shared>>
        tpu.enqueue_indirect_dma source(%dma_start3A_134 : memref<128x64xf32, #tpu.memory_space<vmem>>) target(%dma_start3A_140 : memref<10240x64xf32, #tpu.memory_space<vmem_shared>>) offsets(%dma_start3A_137 : memref<128xi32, #tpu.memory_space<vmem>>) semaphore(%run_scoped3A_130 : memref<!tpu.dma_semaphore, #tpu.memory_space<semaphore_mem>>) {add = true}
        %dma_wait3A_141 = arith.constant 0 : i32
        %dma_wait3A_142 = arith.constant 0 : i32
        %dma_wait3A_143 = tpu.memref_slice %arg12[%run_scoped3A, %dma_wait3A_141, %dma_wait3A_142] : memref<2x128x64xf32, #tpu.memory_space<vmem>> -> memref<1x128x64xf32, #tpu.memory_space<vmem>>
        %dma_wait3A_144 = tpu.memref_squeeze %dma_wait3A_143 : memref<1x128x64xf32, #tpu.memory_space<vmem>> -> memref<128x64xf32, #tpu.memory_space<vmem>>
        %dma_wait3A_145 = arith.constant 0 : i32
        %dma_wait3A_146 = tpu.memref_slice %arg11[%add3A_111, %dma_wait3A_145] : memref<80x128xi32, #tpu.memory_space<vmem>> -> memref<1x128xi32, #tpu.memory_space<vmem>>
        %dma_wait3A_147 = tpu.memref_squeeze %dma_wait3A_146 : memref<1x128xi32, #tpu.memory_space<vmem>> -> memref<128xi32, #tpu.memory_space<vmem>>
        %dma_wait3A_148 = arith.constant 0 : i32
        %dma_wait3A_149 = arith.constant 0 : i32
        %dma_wait3A_150 = tpu.memref_slice %arg13[%dma_wait3A_148, %dma_wait3A_149] : memref<10240x64xf32, #tpu.memory_space<vmem_shared>> -> memref<10240x64xf32, #tpu.memory_space<vmem_shared>>
        tpu.wait_indirect_dma semaphore(%run_scoped3A_130 : memref<!tpu.dma_semaphore, #tpu.memory_space<semaphore_mem>>) src(%dma_wait3A_144 : memref<128x64xf32, #tpu.memory_space<vmem>>) dst(%dma_wait3A_150 : memref<10240x64xf32, #tpu.memory_space<vmem_shared>>)
        tpu.yield
      }) : () -> ()
      %add3A_112 = arith.constant 0 : i32
      %add3A_113 = arith.addi %add3A_72, %add3A_112 : i32
      "tpu.region"() ({
        %run_scoped3A_130 = tpu.sem_alloc : memref<!tpu.dma_semaphore, #tpu.memory_space<semaphore_mem>>
        %dma_start3A_131 = arith.constant 0 : i32
        %dma_start3A_132 = tpu.memref_slice %arg11[%add3A_113, %dma_start3A_131] : memref<80x128xi32, #tpu.memory_space<vmem>> -> memref<1x128xi32, #tpu.memory_space<vmem>>
        %dma_start3A_133 = tpu.memref_squeeze %dma_start3A_132 : memref<1x128xi32, #tpu.memory_space<vmem>> -> memref<128xi32, #tpu.memory_space<vmem>>
        %dma_start3A_134 = arith.constant 0 : i32
        %dma_start3A_135 = arith.constant 0 : i32
        %dma_start3A_136 = tpu.memref_slice %arg24[%dma_start3A_134, %dma_start3A_135] : memref<10240x16xf32, #tpu.memory_space<vmem_shared>> -> memref<10240x16xf32, #tpu.memory_space<vmem_shared>>
        tpu.enqueue_indirect_dma source(%arg23 : memref<128x16xf32, #tpu.memory_space<vmem>>) target(%dma_start3A_136 : memref<10240x16xf32, #tpu.memory_space<vmem_shared>>) offsets(%dma_start3A_133 : memref<128xi32, #tpu.memory_space<vmem>>) semaphore(%run_scoped3A_130 : memref<!tpu.dma_semaphore, #tpu.memory_space<semaphore_mem>>) {add = true}
        %dma_wait3A_137 = arith.constant 0 : i32
        %dma_wait3A_138 = tpu.memref_slice %arg11[%add3A_113, %dma_wait3A_137] : memref<80x128xi32, #tpu.memory_space<vmem>> -> memref<1x128xi32, #tpu.memory_space<vmem>>
        %dma_wait3A_139 = tpu.memref_squeeze %dma_wait3A_138 : memref<1x128xi32, #tpu.memory_space<vmem>> -> memref<128xi32, #tpu.memory_space<vmem>>
        %dma_wait3A_140 = arith.constant 0 : i32
        %dma_wait3A_141 = arith.constant 0 : i32
        %dma_wait3A_142 = tpu.memref_slice %arg24[%dma_wait3A_140, %dma_wait3A_141] : memref<10240x16xf32, #tpu.memory_space<vmem_shared>> -> memref<10240x16xf32, #tpu.memory_space<vmem_shared>>
        tpu.wait_indirect_dma semaphore(%run_scoped3A_130 : memref<!tpu.dma_semaphore, #tpu.memory_space<semaphore_mem>>) src(%arg23 : memref<128x16xf32, #tpu.memory_space<vmem>>) dst(%dma_wait3A_142 : memref<10240x16xf32, #tpu.memory_space<vmem_shared>>)
        tpu.yield
      }) : () -> ()
      %dma_wait3A_114 = arith.constant 1 : i32
      %dma_wait3A_115 = arith.constant 0 : i32
      %dma_wait3A_116 = arith.constant 0 : i32
      %dma_wait3A_117 = tpu.memref_slice %arg12[%dma_wait3A_114, %dma_wait3A_115, %dma_wait3A_116] : memref<2x128x64xf32, #tpu.memory_space<vmem>> -> memref<1x128x64xf32, #tpu.memory_space<vmem>>
      %dma_wait3A_118 = tpu.memref_squeeze %dma_wait3A_117 : memref<1x128x64xf32, #tpu.memory_space<vmem>> -> memref<128x64xf32, #tpu.memory_space<vmem>>
      %dma_wait3A_119 = arith.constant 0 : i32
      %dma_wait3A_120 = tpu.memref_slice %arg10[%add3A_87, %dma_wait3A_119] : memref<80x128xi32, #tpu.memory_space<vmem>> -> memref<1x128xi32, #tpu.memory_space<vmem>>
      %dma_wait3A_121 = tpu.memref_squeeze %dma_wait3A_120 : memref<1x128xi32, #tpu.memory_space<vmem>> -> memref<128xi32, #tpu.memory_space<vmem>>
      %dma_wait3A_122 = arith.constant 0 : i32
      %dma_wait3A_123 = arith.constant 0 : i32
      %dma_wait3A_124 = tpu.memref_slice %arg14[%dma_wait3A_122, %dma_wait3A_123] : memref<10240x64xf32, #tpu.memory_space<vmem_shared>> -> memref<10240x64xf32, #tpu.memory_space<vmem_shared>>
      tpu.wait_indirect_dma semaphore(%arg16 : memref<!tpu.dma_semaphore, #tpu.memory_space<semaphore_mem>>) src(%dma_wait3A_124 : memref<10240x64xf32, #tpu.memory_space<vmem_shared>>) dst(%dma_wait3A_118 : memref<128x64xf32, #tpu.memory_space<vmem>>)
      %add3A_125 = arith.constant 1 : i32
      %add3A_126 = arith.addi %add3A_72, %add3A_125 : i32
      %run_scoped3A_127 = arith.constant 1 : i32
      "tpu.region"() ({
        %run_scoped3A_130 = tpu.sem_alloc : memref<!tpu.dma_semaphore, #tpu.memory_space<semaphore_mem>>
        %dma_start3A_131 = arith.constant 0 : i32
        %dma_start3A_132 = arith.constant 0 : i32
        %dma_start3A_133 = tpu.memref_slice %arg12[%run_scoped3A_127, %dma_start3A_131, %dma_start3A_132] : memref<2x128x64xf32, #tpu.memory_space<vmem>> -> memref<1x128x64xf32, #tpu.memory_space<vmem>>
        %dma_start3A_134 = tpu.memref_squeeze %dma_start3A_133 : memref<1x128x64xf32, #tpu.memory_space<vmem>> -> memref<128x64xf32, #tpu.memory_space<vmem>>
        %dma_start3A_135 = arith.constant 0 : i32
        %dma_start3A_136 = tpu.memref_slice %arg11[%add3A_126, %dma_start3A_135] : memref<80x128xi32, #tpu.memory_space<vmem>> -> memref<1x128xi32, #tpu.memory_space<vmem>>
        %dma_start3A_137 = tpu.memref_squeeze %dma_start3A_136 : memref<1x128xi32, #tpu.memory_space<vmem>> -> memref<128xi32, #tpu.memory_space<vmem>>
        %dma_start3A_138 = arith.constant 0 : i32
        %dma_start3A_139 = arith.constant 0 : i32
        %dma_start3A_140 = tpu.memref_slice %arg13[%dma_start3A_138, %dma_start3A_139] : memref<10240x64xf32, #tpu.memory_space<vmem_shared>> -> memref<10240x64xf32, #tpu.memory_space<vmem_shared>>
        tpu.enqueue_indirect_dma source(%dma_start3A_134 : memref<128x64xf32, #tpu.memory_space<vmem>>) target(%dma_start3A_140 : memref<10240x64xf32, #tpu.memory_space<vmem_shared>>) offsets(%dma_start3A_137 : memref<128xi32, #tpu.memory_space<vmem>>) semaphore(%run_scoped3A_130 : memref<!tpu.dma_semaphore, #tpu.memory_space<semaphore_mem>>) {add = true}
        %dma_wait3A_141 = arith.constant 0 : i32
        %dma_wait3A_142 = arith.constant 0 : i32
        %dma_wait3A_143 = tpu.memref_slice %arg12[%run_scoped3A_127, %dma_wait3A_141, %dma_wait3A_142] : memref<2x128x64xf32, #tpu.memory_space<vmem>> -> memref<1x128x64xf32, #tpu.memory_space<vmem>>
        %dma_wait3A_144 = tpu.memref_squeeze %dma_wait3A_143 : memref<1x128x64xf32, #tpu.memory_space<vmem>> -> memref<128x64xf32, #tpu.memory_space<vmem>>
        %dma_wait3A_145 = arith.constant 0 : i32
        %dma_wait3A_146 = tpu.memref_slice %arg11[%add3A_126, %dma_wait3A_145] : memref<80x128xi32, #tpu.memory_space<vmem>> -> memref<1x128xi32, #tpu.memory_space<vmem>>
        %dma_wait3A_147 = tpu.memref_squeeze %dma_wait3A_146 : memref<1x128xi32, #tpu.memory_space<vmem>> -> memref<128xi32, #tpu.memory_space<vmem>>
        %dma_wait3A_148 = arith.constant 0 : i32
        %dma_wait3A_149 = arith.constant 0 : i32
        %dma_wait3A_150 = tpu.memref_slice %arg13[%dma_wait3A_148, %dma_wait3A_149] : memref<10240x64xf32, #tpu.memory_space<vmem_shared>> -> memref<10240x64xf32, #tpu.memory_space<vmem_shared>>
        tpu.wait_indirect_dma semaphore(%run_scoped3A_130 : memref<!tpu.dma_semaphore, #tpu.memory_space<semaphore_mem>>) src(%dma_wait3A_144 : memref<128x64xf32, #tpu.memory_space<vmem>>) dst(%dma_wait3A_150 : memref<10240x64xf32, #tpu.memory_space<vmem_shared>>)
        tpu.yield
      }) : () -> ()
      %add3A_128 = arith.constant 1 : i32
      %add3A_129 = arith.addi %add3A_72, %add3A_128 : i32
      "tpu.region"() ({
        %run_scoped3A_130 = tpu.sem_alloc : memref<!tpu.dma_semaphore, #tpu.memory_space<semaphore_mem>>
        %dma_start3A_131 = arith.constant 0 : i32
        %dma_start3A_132 = tpu.memref_slice %arg11[%add3A_129, %dma_start3A_131] : memref<80x128xi32, #tpu.memory_space<vmem>> -> memref<1x128xi32, #tpu.memory_space<vmem>>
        %dma_start3A_133 = tpu.memref_squeeze %dma_start3A_132 : memref<1x128xi32, #tpu.memory_space<vmem>> -> memref<128xi32, #tpu.memory_space<vmem>>
        %dma_start3A_134 = arith.constant 0 : i32
        %dma_start3A_135 = arith.constant 0 : i32
        %dma_start3A_136 = tpu.memref_slice %arg24[%dma_start3A_134, %dma_start3A_135] : memref<10240x16xf32, #tpu.memory_space<vmem_shared>> -> memref<10240x16xf32, #tpu.memory_space<vmem_shared>>
        tpu.enqueue_indirect_dma source(%arg23 : memref<128x16xf32, #tpu.memory_space<vmem>>) target(%dma_start3A_136 : memref<10240x16xf32, #tpu.memory_space<vmem_shared>>) offsets(%dma_start3A_133 : memref<128xi32, #tpu.memory_space<vmem>>) semaphore(%run_scoped3A_130 : memref<!tpu.dma_semaphore, #tpu.memory_space<semaphore_mem>>) {add = true}
        %dma_wait3A_137 = arith.constant 0 : i32
        %dma_wait3A_138 = tpu.memref_slice %arg11[%add3A_129, %dma_wait3A_137] : memref<80x128xi32, #tpu.memory_space<vmem>> -> memref<1x128xi32, #tpu.memory_space<vmem>>
        %dma_wait3A_139 = tpu.memref_squeeze %dma_wait3A_138 : memref<1x128xi32, #tpu.memory_space<vmem>> -> memref<128xi32, #tpu.memory_space<vmem>>
        %dma_wait3A_140 = arith.constant 0 : i32
        %dma_wait3A_141 = arith.constant 0 : i32
        %dma_wait3A_142 = tpu.memref_slice %arg24[%dma_wait3A_140, %dma_wait3A_141] : memref<10240x16xf32, #tpu.memory_space<vmem_shared>> -> memref<10240x16xf32, #tpu.memory_space<vmem_shared>>
        tpu.wait_indirect_dma semaphore(%run_scoped3A_130 : memref<!tpu.dma_semaphore, #tpu.memory_space<semaphore_mem>>) src(%arg23 : memref<128x16xf32, #tpu.memory_space<vmem>>) dst(%dma_wait3A_142 : memref<10240x16xf32, #tpu.memory_space<vmem_shared>>)
        tpu.yield
      }) : () -> ()
    }
    %scan3A_46 = arith.constant 40 : i32
    %barrier3A_47 = arith.constant 0 : index
    tpu.barrier barrier_id(%barrier3A_47)
    %dma_start3A_48 = arith.constant 0 : i32
    %dma_start3A_49 = tpu.memref_slice %arg8[%arg0, %mul3A_2, %dma_start3A_48] : memref<2x10240x64xf32, #tpu.memory_space<hbm>> -> memref<1x640x64xf32, #tpu.memory_space<hbm>>
    %dma_start3A_50 = tpu.memref_squeeze %dma_start3A_49 : memref<1x640x64xf32, #tpu.memory_space<hbm>> -> memref<640x64xf32, #tpu.memory_space<hbm>>
    %dma_start3A_51 = arith.constant 0 : i32
    %dma_start3A_52 = tpu.memref_slice %arg13[%mul3A_2, %dma_start3A_51] : memref<10240x64xf32, #tpu.memory_space<vmem_shared>> -> memref<640x64xf32, #tpu.memory_space<vmem_shared>>
    tpu.enqueue_dma source(%dma_start3A_52 : memref<640x64xf32, #tpu.memory_space<vmem_shared>>) target(%dma_start3A_50 : memref<640x64xf32, #tpu.memory_space<hbm>>) target_semaphore(%arg17 : memref<!tpu.dma_semaphore, #tpu.memory_space<semaphore_mem>>)
    %dma_start3A_53 = arith.constant 0 : i32
    %dma_start3A_54 = tpu.memref_slice %arg9[%arg0, %mul3A_2, %dma_start3A_53] : memref<2x10240x16xf32, #tpu.memory_space<hbm>> -> memref<1x640x16xf32, #tpu.memory_space<hbm>>
    %dma_start3A_55 = tpu.memref_squeeze %dma_start3A_54 : memref<1x640x16xf32, #tpu.memory_space<hbm>> -> memref<640x16xf32, #tpu.memory_space<hbm>>
    %dma_start3A_56 = arith.constant 0 : i32
    %dma_start3A_57 = tpu.memref_slice %arg24[%mul3A_2, %dma_start3A_56] : memref<10240x16xf32, #tpu.memory_space<vmem_shared>> -> memref<640x16xf32, #tpu.memory_space<vmem_shared>>
    tpu.enqueue_dma source(%dma_start3A_57 : memref<640x16xf32, #tpu.memory_space<vmem_shared>>) target(%dma_start3A_55 : memref<640x16xf32, #tpu.memory_space<hbm>>) target_semaphore(%arg18 : memref<!tpu.dma_semaphore, #tpu.memory_space<semaphore_mem>>)
    %dma_wait3A_58 = arith.constant 0 : i32
    %dma_wait3A_59 = tpu.memref_slice %arg8[%arg0, %mul3A_2, %dma_wait3A_58] : memref<2x10240x64xf32, #tpu.memory_space<hbm>> -> memref<1x640x64xf32, #tpu.memory_space<hbm>>
    %dma_wait3A_60 = tpu.memref_squeeze %dma_wait3A_59 : memref<1x640x64xf32, #tpu.memory_space<hbm>> -> memref<640x64xf32, #tpu.memory_space<hbm>>
    %dma_wait3A_61 = arith.constant 0 : i32
    %dma_wait3A_62 = tpu.memref_slice %arg13[%mul3A_2, %dma_wait3A_61] : memref<10240x64xf32, #tpu.memory_space<vmem_shared>> -> memref<640x64xf32, #tpu.memory_space<vmem_shared>>
    tpu.wait_dma2 semaphore(%arg17 : memref<!tpu.dma_semaphore, #tpu.memory_space<semaphore_mem>>) src(%dma_wait3A_62 : memref<640x64xf32, #tpu.memory_space<vmem_shared>>) dst(%dma_wait3A_60 : memref<640x64xf32, #tpu.memory_space<hbm>>)
    %dma_wait3A_63 = arith.constant 0 : i32
    %dma_wait3A_64 = tpu.memref_slice %arg9[%arg0, %mul3A_2, %dma_wait3A_63] : memref<2x10240x16xf32, #tpu.memory_space<hbm>> -> memref<1x640x16xf32, #tpu.memory_space<hbm>>
    %dma_wait3A_65 = tpu.memref_squeeze %dma_wait3A_64 : memref<1x640x16xf32, #tpu.memory_space<hbm>> -> memref<640x16xf32, #tpu.memory_space<hbm>>
    %dma_wait3A_66 = arith.constant 0 : i32
    %dma_wait3A_67 = tpu.memref_slice %arg24[%mul3A_2, %dma_wait3A_66] : memref<10240x16xf32, #tpu.memory_space<vmem_shared>> -> memref<640x16xf32, #tpu.memory_space<vmem_shared>>
    tpu.wait_dma2 semaphore(%arg18 : memref<!tpu.dma_semaphore, #tpu.memory_space<semaphore_mem>>) src(%dma_wait3A_67 : memref<640x16xf32, #tpu.memory_space<vmem_shared>>) dst(%dma_wait3A_65 : memref<640x16xf32, #tpu.memory_space<hbm>>)
    return
  }
}

#map = affine_map<(d0, d1) -> (0, 0)>
#map1 = affine_map<(d0, d1) -> (0, 0, 0)>
module attributes {stable_mosaic.version = 14 : i64} {
  func.func @body(%arg0: i32, %arg1: i32, %arg2: memref<10240x48xf32, #tpu.memory_space<hbm>>, %arg3: memref<2560x128xi32, #tpu.memory_space<hbm>>, %arg4: memref<2560x128xi32, #tpu.memory_space<hbm>>, %arg5: memref<10240x48xf32, #tpu.memory_space<hbm>>, %arg6: memref<2x10240x48xf32, #tpu.memory_space<hbm>>, %arg7: memref<80x128xi32, #tpu.memory_space<vmem>>, %arg8: memref<80x128xi32, #tpu.memory_space<vmem>>, %arg9: memref<4x128x48xf32, #tpu.memory_space<vmem>>, %arg10: memref<10240x48xf32, #tpu.memory_space<vmem_shared>>, %arg11: memref<10240x48xf32, #tpu.memory_space<vmem_shared>>, %arg12: memref<!tpu.dma_semaphore, #tpu.memory_space<semaphore_mem>>, %arg13: memref<!tpu.dma_semaphore, #tpu.memory_space<semaphore_mem>>, %arg14: memref<!tpu.dma_semaphore, #tpu.memory_space<semaphore_mem>>, %arg15: memref<!tpu.dma_semaphore, #tpu.memory_space<semaphore_mem>>, %arg16: memref<!tpu.dma_semaphore, #tpu.memory_space<semaphore_mem>>, %arg17: memref<!tpu.dma_semaphore, #tpu.memory_space<semaphore_mem>>, %arg18: memref<!tpu.dma_semaphore, #tpu.memory_space<semaphore_mem>>, %arg19: memref<!tpu.dma_semaphore, #tpu.memory_space<semaphore_mem>>, %arg20: memref<!tpu.dma_semaphore, #tpu.memory_space<semaphore_mem>>, %arg21: memref<!tpu.dma_semaphore, #tpu.memory_space<semaphore_mem>>) attributes {dimension_semantics = [#tpu.dimension_semantics<core_parallel>, #tpu.dimension_semantics<subcore_parallel>], iteration_bounds = array<i64: 2, 16>, scalar_prefetch = 0 : i64, scratch_operands = 15 : i64, tpu.core_type = #tpu.core_type<sc_vector_subcore>, window_params = [{transform_indices = #map}, {transform_indices = #map}, {transform_indices = #map}, {transform_indices = #map}, {transform_indices = #map1}]} {
    %mul3A = arith.constant 16 : i32
    %mul3A_0 = arith.muli %arg0, %mul3A : i32
    %add3A = arith.addi %mul3A_0, %arg1 : i32
    %mul3A_1 = arith.constant 640 : i32
    %mul3A_2 = arith.muli %arg1, %mul3A_1 : i32
    %mul3A_3 = arith.constant 80 : i32
    %mul3A_4 = arith.muli %add3A, %mul3A_3 : i32
    %dma_start3A = arith.constant 0 : i32
    %dma_start3A_5 = tpu.memref_slice %arg10[%mul3A_2, %dma_start3A] : memref<10240x48xf32, #tpu.memory_space<vmem_shared>> -> memref<640x48xf32, #tpu.memory_space<vmem_shared>>
    %dma_start3A_6 = arith.constant 0 : i32
    %dma_start3A_7 = tpu.memref_slice %arg5[%mul3A_2, %dma_start3A_6] : memref<10240x48xf32, #tpu.memory_space<hbm>> -> memref<640x48xf32, #tpu.memory_space<hbm>>
    tpu.enqueue_dma source(%dma_start3A_7 : memref<640x48xf32, #tpu.memory_space<hbm>>) target(%dma_start3A_5 : memref<640x48xf32, #tpu.memory_space<vmem_shared>>) target_semaphore(%arg16 : memref<!tpu.dma_semaphore, #tpu.memory_space<semaphore_mem>>)
    %dma_start3A_8 = arith.constant 0 : i32
    %dma_start3A_9 = tpu.memref_slice %arg11[%mul3A_2, %dma_start3A_8] : memref<10240x48xf32, #tpu.memory_space<vmem_shared>> -> memref<640x48xf32, #tpu.memory_space<vmem_shared>>
    %dma_start3A_10 = arith.constant 0 : i32
    %dma_start3A_11 = tpu.memref_slice %arg2[%mul3A_2, %dma_start3A_10] : memref<10240x48xf32, #tpu.memory_space<hbm>> -> memref<640x48xf32, #tpu.memory_space<hbm>>
    tpu.enqueue_dma source(%dma_start3A_11 : memref<640x48xf32, #tpu.memory_space<hbm>>) target(%dma_start3A_9 : memref<640x48xf32, #tpu.memory_space<vmem_shared>>) target_semaphore(%arg17 : memref<!tpu.dma_semaphore, #tpu.memory_space<semaphore_mem>>)
    %dma_start3A_12 = arith.constant 0 : i32
    %dma_start3A_13 = tpu.memref_slice %arg3[%mul3A_4, %dma_start3A_12] : memref<2560x128xi32, #tpu.memory_space<hbm>> -> memref<80x128xi32, #tpu.memory_space<hbm>>
    %dma_start3A_14 = arith.constant 0 : i32
    %dma_start3A_15 = tpu.memref_slice %arg3[%mul3A_4, %dma_start3A_14] : memref<2560x128xi32, #tpu.memory_space<hbm>> -> memref<80x128xi32, #tpu.memory_space<hbm>>
    tpu.enqueue_dma source(%dma_start3A_15 : memref<80x128xi32, #tpu.memory_space<hbm>>) target(%arg7 : memref<80x128xi32, #tpu.memory_space<vmem>>) target_semaphore(%arg18 : memref<!tpu.dma_semaphore, #tpu.memory_space<semaphore_mem>>)
    %dma_start3A_16 = arith.constant 0 : i32
    %dma_start3A_17 = tpu.memref_slice %arg4[%mul3A_4, %dma_start3A_16] : memref<2560x128xi32, #tpu.memory_space<hbm>> -> memref<80x128xi32, #tpu.memory_space<hbm>>
    %dma_start3A_18 = arith.constant 0 : i32
    %dma_start3A_19 = tpu.memref_slice %arg4[%mul3A_4, %dma_start3A_18] : memref<2560x128xi32, #tpu.memory_space<hbm>> -> memref<80x128xi32, #tpu.memory_space<hbm>>
    tpu.enqueue_dma source(%dma_start3A_19 : memref<80x128xi32, #tpu.memory_space<hbm>>) target(%arg8 : memref<80x128xi32, #tpu.memory_space<vmem>>) target_semaphore(%arg19 : memref<!tpu.dma_semaphore, #tpu.memory_space<semaphore_mem>>)
    %dma_wait3A = arith.constant 0 : i32
    %dma_wait3A_20 = tpu.memref_slice %arg10[%mul3A_2, %dma_wait3A] : memref<10240x48xf32, #tpu.memory_space<vmem_shared>> -> memref<640x48xf32, #tpu.memory_space<vmem_shared>>
    %dma_wait3A_21 = arith.constant 0 : i32
    %dma_wait3A_22 = tpu.memref_slice %arg5[%mul3A_2, %dma_wait3A_21] : memref<10240x48xf32, #tpu.memory_space<hbm>> -> memref<640x48xf32, #tpu.memory_space<hbm>>
    tpu.wait_dma2 semaphore(%arg16 : memref<!tpu.dma_semaphore, #tpu.memory_space<semaphore_mem>>) src(%dma_wait3A_22 : memref<640x48xf32, #tpu.memory_space<hbm>>) dst(%dma_wait3A_20 : memref<640x48xf32, #tpu.memory_space<vmem_shared>>)
    %dma_wait3A_23 = arith.constant 0 : i32
    %dma_wait3A_24 = tpu.memref_slice %arg11[%mul3A_2, %dma_wait3A_23] : memref<10240x48xf32, #tpu.memory_space<vmem_shared>> -> memref<640x48xf32, #tpu.memory_space<vmem_shared>>
    %dma_wait3A_25 = arith.constant 0 : i32
    %dma_wait3A_26 = tpu.memref_slice %arg2[%mul3A_2, %dma_wait3A_25] : memref<10240x48xf32, #tpu.memory_space<hbm>> -> memref<640x48xf32, #tpu.memory_space<hbm>>
    tpu.wait_dma2 semaphore(%arg17 : memref<!tpu.dma_semaphore, #tpu.memory_space<semaphore_mem>>) src(%dma_wait3A_26 : memref<640x48xf32, #tpu.memory_space<hbm>>) dst(%dma_wait3A_24 : memref<640x48xf32, #tpu.memory_space<vmem_shared>>)
    %dma_wait3A_27 = arith.constant 0 : i32
    %dma_wait3A_28 = tpu.memref_slice %arg3[%mul3A_4, %dma_wait3A_27] : memref<2560x128xi32, #tpu.memory_space<hbm>> -> memref<80x128xi32, #tpu.memory_space<hbm>>
    %dma_wait3A_29 = arith.constant 0 : i32
    %dma_wait3A_30 = tpu.memref_slice %arg3[%mul3A_4, %dma_wait3A_29] : memref<2560x128xi32, #tpu.memory_space<hbm>> -> memref<80x128xi32, #tpu.memory_space<hbm>>
    tpu.wait_dma2 semaphore(%arg18 : memref<!tpu.dma_semaphore, #tpu.memory_space<semaphore_mem>>) src(%dma_wait3A_30 : memref<80x128xi32, #tpu.memory_space<hbm>>) dst(%arg7 : memref<80x128xi32, #tpu.memory_space<vmem>>)
    %dma_wait3A_31 = arith.constant 0 : i32
    %dma_wait3A_32 = tpu.memref_slice %arg4[%mul3A_4, %dma_wait3A_31] : memref<2560x128xi32, #tpu.memory_space<hbm>> -> memref<80x128xi32, #tpu.memory_space<hbm>>
    %dma_wait3A_33 = arith.constant 0 : i32
    %dma_wait3A_34 = tpu.memref_slice %arg4[%mul3A_4, %dma_wait3A_33] : memref<2560x128xi32, #tpu.memory_space<hbm>> -> memref<80x128xi32, #tpu.memory_space<hbm>>
    tpu.wait_dma2 semaphore(%arg19 : memref<!tpu.dma_semaphore, #tpu.memory_space<semaphore_mem>>) src(%dma_wait3A_34 : memref<80x128xi32, #tpu.memory_space<hbm>>) dst(%arg8 : memref<80x128xi32, #tpu.memory_space<vmem>>)
    %barrier3A = arith.constant 0 : index
    tpu.barrier barrier_id(%barrier3A)
    %scan3A = arith.constant 0 : i32
    %scan3A_35 = arith.constant 20 : i32
    %scan3A_36 = arith.addi %scan3A, %scan3A_35 : i32
    %scan3A_37 = arith.constant 1 : i32
    scf.for %scan3A_50 = %scan3A to %scan3A_36 step %scan3A_37  : i32 {
      %mul3A_51 = arith.constant 4 : i32
      %mul3A_52 = arith.muli %scan3A_50, %mul3A_51 : i32
      %add3A_53 = arith.constant 0 : i32
      %add3A_54 = arith.addi %add3A_53, %mul3A_52 : i32
      %add3A_55 = arith.constant 0 : i32
      %add3A_56 = arith.addi %add3A_54, %add3A_55 : i32
      %dma_start3A_57 = arith.constant 0 : i32
      %dma_start3A_58 = arith.constant 0 : i32
      %dma_start3A_59 = arith.constant 0 : i32
      %dma_start3A_60 = tpu.memref_slice %arg9[%dma_start3A_57, %dma_start3A_58, %dma_start3A_59] : memref<4x128x48xf32, #tpu.memory_space<vmem>> -> memref<1x128x48xf32, #tpu.memory_space<vmem>>
      %dma_start3A_61 = tpu.memref_squeeze %dma_start3A_60 : memref<1x128x48xf32, #tpu.memory_space<vmem>> -> memref<128x48xf32, #tpu.memory_space<vmem>>
      %dma_start3A_62 = arith.constant 0 : i32
      %dma_start3A_63 = tpu.memref_slice %arg7[%add3A_56, %dma_start3A_62] : memref<80x128xi32, #tpu.memory_space<vmem>> -> memref<1x128xi32, #tpu.memory_space<vmem>>
      %dma_start3A_64 = tpu.memref_squeeze %dma_start3A_63 : memref<1x128xi32, #tpu.memory_space<vmem>> -> memref<128xi32, #tpu.memory_space<vmem>>
      %dma_start3A_65 = arith.constant 0 : i32
      %dma_start3A_66 = arith.constant 0 : i32
      %dma_start3A_67 = tpu.memref_slice %arg11[%dma_start3A_65, %dma_start3A_66] : memref<10240x48xf32, #tpu.memory_space<vmem_shared>> -> memref<10240x48xf32, #tpu.memory_space<vmem_shared>>
      tpu.enqueue_indirect_dma source(%dma_start3A_67 : memref<10240x48xf32, #tpu.memory_space<vmem_shared>>) target(%dma_start3A_61 : memref<128x48xf32, #tpu.memory_space<vmem>>) offsets(%dma_start3A_64 : memref<128xi32, #tpu.memory_space<vmem>>) semaphore(%arg12 : memref<!tpu.dma_semaphore, #tpu.memory_space<semaphore_mem>>)
      %add3A_68 = arith.constant 1 : i32
      %add3A_69 = arith.addi %add3A_54, %add3A_68 : i32
      %dma_start3A_70 = arith.constant 1 : i32
      %dma_start3A_71 = arith.constant 0 : i32
      %dma_start3A_72 = arith.constant 0 : i32
      %dma_start3A_73 = tpu.memref_slice %arg9[%dma_start3A_70, %dma_start3A_71, %dma_start3A_72] : memref<4x128x48xf32, #tpu.memory_space<vmem>> -> memref<1x128x48xf32, #tpu.memory_space<vmem>>
      %dma_start3A_74 = tpu.memref_squeeze %dma_start3A_73 : memref<1x128x48xf32, #tpu.memory_space<vmem>> -> memref<128x48xf32, #tpu.memory_space<vmem>>
      %dma_start3A_75 = arith.constant 0 : i32
      %dma_start3A_76 = tpu.memref_slice %arg7[%add3A_69, %dma_start3A_75] : memref<80x128xi32, #tpu.memory_space<vmem>> -> memref<1x128xi32, #tpu.memory_space<vmem>>
      %dma_start3A_77 = tpu.memref_squeeze %dma_start3A_76 : memref<1x128xi32, #tpu.memory_space<vmem>> -> memref<128xi32, #tpu.memory_space<vmem>>
      %dma_start3A_78 = arith.constant 0 : i32
      %dma_start3A_79 = arith.constant 0 : i32
      %dma_start3A_80 = tpu.memref_slice %arg11[%dma_start3A_78, %dma_start3A_79] : memref<10240x48xf32, #tpu.memory_space<vmem_shared>> -> memref<10240x48xf32, #tpu.memory_space<vmem_shared>>
      tpu.enqueue_indirect_dma source(%dma_start3A_80 : memref<10240x48xf32, #tpu.memory_space<vmem_shared>>) target(%dma_start3A_74 : memref<128x48xf32, #tpu.memory_space<vmem>>) offsets(%dma_start3A_77 : memref<128xi32, #tpu.memory_space<vmem>>) semaphore(%arg13 : memref<!tpu.dma_semaphore, #tpu.memory_space<semaphore_mem>>)
      %add3A_81 = arith.constant 2 : i32
      %add3A_82 = arith.addi %add3A_54, %add3A_81 : i32
      %dma_start3A_83 = arith.constant 2 : i32
      %dma_start3A_84 = arith.constant 0 : i32
      %dma_start3A_85 = arith.constant 0 : i32
      %dma_start3A_86 = tpu.memref_slice %arg9[%dma_start3A_83, %dma_start3A_84, %dma_start3A_85] : memref<4x128x48xf32, #tpu.memory_space<vmem>> -> memref<1x128x48xf32, #tpu.memory_space<vmem>>
      %dma_start3A_87 = tpu.memref_squeeze %dma_start3A_86 : memref<1x128x48xf32, #tpu.memory_space<vmem>> -> memref<128x48xf32, #tpu.memory_space<vmem>>
      %dma_start3A_88 = arith.constant 0 : i32
      %dma_start3A_89 = tpu.memref_slice %arg7[%add3A_82, %dma_start3A_88] : memref<80x128xi32, #tpu.memory_space<vmem>> -> memref<1x128xi32, #tpu.memory_space<vmem>>
      %dma_start3A_90 = tpu.memref_squeeze %dma_start3A_89 : memref<1x128xi32, #tpu.memory_space<vmem>> -> memref<128xi32, #tpu.memory_space<vmem>>
      %dma_start3A_91 = arith.constant 0 : i32
      %dma_start3A_92 = arith.constant 0 : i32
      %dma_start3A_93 = tpu.memref_slice %arg11[%dma_start3A_91, %dma_start3A_92] : memref<10240x48xf32, #tpu.memory_space<vmem_shared>> -> memref<10240x48xf32, #tpu.memory_space<vmem_shared>>
      tpu.enqueue_indirect_dma source(%dma_start3A_93 : memref<10240x48xf32, #tpu.memory_space<vmem_shared>>) target(%dma_start3A_87 : memref<128x48xf32, #tpu.memory_space<vmem>>) offsets(%dma_start3A_90 : memref<128xi32, #tpu.memory_space<vmem>>) semaphore(%arg14 : memref<!tpu.dma_semaphore, #tpu.memory_space<semaphore_mem>>)
      %add3A_94 = arith.constant 3 : i32
      %add3A_95 = arith.addi %add3A_54, %add3A_94 : i32
      %dma_start3A_96 = arith.constant 3 : i32
      %dma_start3A_97 = arith.constant 0 : i32
      %dma_start3A_98 = arith.constant 0 : i32
      %dma_start3A_99 = tpu.memref_slice %arg9[%dma_start3A_96, %dma_start3A_97, %dma_start3A_98] : memref<4x128x48xf32, #tpu.memory_space<vmem>> -> memref<1x128x48xf32, #tpu.memory_space<vmem>>
      %dma_start3A_100 = tpu.memref_squeeze %dma_start3A_99 : memref<1x128x48xf32, #tpu.memory_space<vmem>> -> memref<128x48xf32, #tpu.memory_space<vmem>>
      %dma_start3A_101 = arith.constant 0 : i32
      %dma_start3A_102 = tpu.memref_slice %arg7[%add3A_95, %dma_start3A_101] : memref<80x128xi32, #tpu.memory_space<vmem>> -> memref<1x128xi32, #tpu.memory_space<vmem>>
      %dma_start3A_103 = tpu.memref_squeeze %dma_start3A_102 : memref<1x128xi32, #tpu.memory_space<vmem>> -> memref<128xi32, #tpu.memory_space<vmem>>
      %dma_start3A_104 = arith.constant 0 : i32
      %dma_start3A_105 = arith.constant 0 : i32
      %dma_start3A_106 = tpu.memref_slice %arg11[%dma_start3A_104, %dma_start3A_105] : memref<10240x48xf32, #tpu.memory_space<vmem_shared>> -> memref<10240x48xf32, #tpu.memory_space<vmem_shared>>
      tpu.enqueue_indirect_dma source(%dma_start3A_106 : memref<10240x48xf32, #tpu.memory_space<vmem_shared>>) target(%dma_start3A_100 : memref<128x48xf32, #tpu.memory_space<vmem>>) offsets(%dma_start3A_103 : memref<128xi32, #tpu.memory_space<vmem>>) semaphore(%arg15 : memref<!tpu.dma_semaphore, #tpu.memory_space<semaphore_mem>>)
      %dma_wait3A_107 = arith.constant 0 : i32
      %dma_wait3A_108 = arith.constant 0 : i32
      %dma_wait3A_109 = arith.constant 0 : i32
      %dma_wait3A_110 = tpu.memref_slice %arg9[%dma_wait3A_107, %dma_wait3A_108, %dma_wait3A_109] : memref<4x128x48xf32, #tpu.memory_space<vmem>> -> memref<1x128x48xf32, #tpu.memory_space<vmem>>
      %dma_wait3A_111 = tpu.memref_squeeze %dma_wait3A_110 : memref<1x128x48xf32, #tpu.memory_space<vmem>> -> memref<128x48xf32, #tpu.memory_space<vmem>>
      %dma_wait3A_112 = arith.constant 0 : i32
      %dma_wait3A_113 = tpu.memref_slice %arg7[%add3A_56, %dma_wait3A_112] : memref<80x128xi32, #tpu.memory_space<vmem>> -> memref<1x128xi32, #tpu.memory_space<vmem>>
      %dma_wait3A_114 = tpu.memref_squeeze %dma_wait3A_113 : memref<1x128xi32, #tpu.memory_space<vmem>> -> memref<128xi32, #tpu.memory_space<vmem>>
      %dma_wait3A_115 = arith.constant 0 : i32
      %dma_wait3A_116 = arith.constant 0 : i32
      %dma_wait3A_117 = tpu.memref_slice %arg11[%dma_wait3A_115, %dma_wait3A_116] : memref<10240x48xf32, #tpu.memory_space<vmem_shared>> -> memref<10240x48xf32, #tpu.memory_space<vmem_shared>>
      tpu.wait_indirect_dma semaphore(%arg12 : memref<!tpu.dma_semaphore, #tpu.memory_space<semaphore_mem>>) src(%dma_wait3A_117 : memref<10240x48xf32, #tpu.memory_space<vmem_shared>>) dst(%dma_wait3A_111 : memref<128x48xf32, #tpu.memory_space<vmem>>)
      %add3A_118 = arith.constant 0 : i32
      %add3A_119 = arith.addi %add3A_54, %add3A_118 : i32
      %run_scoped3A = arith.constant 0 : i32
      "tpu.region"() ({
        %run_scoped3A_162 = tpu.sem_alloc : memref<!tpu.dma_semaphore, #tpu.memory_space<semaphore_mem>>
        %dma_start3A_163 = arith.constant 0 : i32
        %dma_start3A_164 = arith.constant 0 : i32
        %dma_start3A_165 = tpu.memref_slice %arg9[%run_scoped3A, %dma_start3A_163, %dma_start3A_164] : memref<4x128x48xf32, #tpu.memory_space<vmem>> -> memref<1x128x48xf32, #tpu.memory_space<vmem>>
        %dma_start3A_166 = tpu.memref_squeeze %dma_start3A_165 : memref<1x128x48xf32, #tpu.memory_space<vmem>> -> memref<128x48xf32, #tpu.memory_space<vmem>>
        %dma_start3A_167 = arith.constant 0 : i32
        %dma_start3A_168 = tpu.memref_slice %arg8[%add3A_119, %dma_start3A_167] : memref<80x128xi32, #tpu.memory_space<vmem>> -> memref<1x128xi32, #tpu.memory_space<vmem>>
        %dma_start3A_169 = tpu.memref_squeeze %dma_start3A_168 : memref<1x128xi32, #tpu.memory_space<vmem>> -> memref<128xi32, #tpu.memory_space<vmem>>
        %dma_start3A_170 = arith.constant 0 : i32
        %dma_start3A_171 = arith.constant 0 : i32
        %dma_start3A_172 = tpu.memref_slice %arg10[%dma_start3A_170, %dma_start3A_171] : memref<10240x48xf32, #tpu.memory_space<vmem_shared>> -> memref<10240x48xf32, #tpu.memory_space<vmem_shared>>
        tpu.enqueue_indirect_dma source(%dma_start3A_166 : memref<128x48xf32, #tpu.memory_space<vmem>>) target(%dma_start3A_172 : memref<10240x48xf32, #tpu.memory_space<vmem_shared>>) offsets(%dma_start3A_169 : memref<128xi32, #tpu.memory_space<vmem>>) semaphore(%run_scoped3A_162 : memref<!tpu.dma_semaphore, #tpu.memory_space<semaphore_mem>>) {add = true}
        %dma_wait3A_173 = arith.constant 0 : i32
        %dma_wait3A_174 = arith.constant 0 : i32
        %dma_wait3A_175 = tpu.memref_slice %arg9[%run_scoped3A, %dma_wait3A_173, %dma_wait3A_174] : memref<4x128x48xf32, #tpu.memory_space<vmem>> -> memref<1x128x48xf32, #tpu.memory_space<vmem>>
        %dma_wait3A_176 = tpu.memref_squeeze %dma_wait3A_175 : memref<1x128x48xf32, #tpu.memory_space<vmem>> -> memref<128x48xf32, #tpu.memory_space<vmem>>
        %dma_wait3A_177 = arith.constant 0 : i32
        %dma_wait3A_178 = tpu.memref_slice %arg8[%add3A_119, %dma_wait3A_177] : memref<80x128xi32, #tpu.memory_space<vmem>> -> memref<1x128xi32, #tpu.memory_space<vmem>>
        %dma_wait3A_179 = tpu.memref_squeeze %dma_wait3A_178 : memref<1x128xi32, #tpu.memory_space<vmem>> -> memref<128xi32, #tpu.memory_space<vmem>>
        %dma_wait3A_180 = arith.constant 0 : i32
        %dma_wait3A_181 = arith.constant 0 : i32
        %dma_wait3A_182 = tpu.memref_slice %arg10[%dma_wait3A_180, %dma_wait3A_181] : memref<10240x48xf32, #tpu.memory_space<vmem_shared>> -> memref<10240x48xf32, #tpu.memory_space<vmem_shared>>
        tpu.wait_indirect_dma semaphore(%run_scoped3A_162 : memref<!tpu.dma_semaphore, #tpu.memory_space<semaphore_mem>>) src(%dma_wait3A_176 : memref<128x48xf32, #tpu.memory_space<vmem>>) dst(%dma_wait3A_182 : memref<10240x48xf32, #tpu.memory_space<vmem_shared>>)
        tpu.yield
      }) : () -> ()
      %dma_wait3A_120 = arith.constant 1 : i32
      %dma_wait3A_121 = arith.constant 0 : i32
      %dma_wait3A_122 = arith.constant 0 : i32
      %dma_wait3A_123 = tpu.memref_slice %arg9[%dma_wait3A_120, %dma_wait3A_121, %dma_wait3A_122] : memref<4x128x48xf32, #tpu.memory_space<vmem>> -> memref<1x128x48xf32, #tpu.memory_space<vmem>>
      %dma_wait3A_124 = tpu.memref_squeeze %dma_wait3A_123 : memref<1x128x48xf32, #tpu.memory_space<vmem>> -> memref<128x48xf32, #tpu.memory_space<vmem>>
      %dma_wait3A_125 = arith.constant 0 : i32
      %dma_wait3A_126 = tpu.memref_slice %arg7[%add3A_69, %dma_wait3A_125] : memref<80x128xi32, #tpu.memory_space<vmem>> -> memref<1x128xi32, #tpu.memory_space<vmem>>
      %dma_wait3A_127 = tpu.memref_squeeze %dma_wait3A_126 : memref<1x128xi32, #tpu.memory_space<vmem>> -> memref<128xi32, #tpu.memory_space<vmem>>
      %dma_wait3A_128 = arith.constant 0 : i32
      %dma_wait3A_129 = arith.constant 0 : i32
      %dma_wait3A_130 = tpu.memref_slice %arg11[%dma_wait3A_128, %dma_wait3A_129] : memref<10240x48xf32, #tpu.memory_space<vmem_shared>> -> memref<10240x48xf32, #tpu.memory_space<vmem_shared>>
      tpu.wait_indirect_dma semaphore(%arg13 : memref<!tpu.dma_semaphore, #tpu.memory_space<semaphore_mem>>) src(%dma_wait3A_130 : memref<10240x48xf32, #tpu.memory_space<vmem_shared>>) dst(%dma_wait3A_124 : memref<128x48xf32, #tpu.memory_space<vmem>>)
      %add3A_131 = arith.constant 1 : i32
      %add3A_132 = arith.addi %add3A_54, %add3A_131 : i32
      %run_scoped3A_133 = arith.constant 1 : i32
      "tpu.region"() ({
        %run_scoped3A_162 = tpu.sem_alloc : memref<!tpu.dma_semaphore, #tpu.memory_space<semaphore_mem>>
        %dma_start3A_163 = arith.constant 0 : i32
        %dma_start3A_164 = arith.constant 0 : i32
        %dma_start3A_165 = tpu.memref_slice %arg9[%run_scoped3A_133, %dma_start3A_163, %dma_start3A_164] : memref<4x128x48xf32, #tpu.memory_space<vmem>> -> memref<1x128x48xf32, #tpu.memory_space<vmem>>
        %dma_start3A_166 = tpu.memref_squeeze %dma_start3A_165 : memref<1x128x48xf32, #tpu.memory_space<vmem>> -> memref<128x48xf32, #tpu.memory_space<vmem>>
        %dma_start3A_167 = arith.constant 0 : i32
        %dma_start3A_168 = tpu.memref_slice %arg8[%add3A_132, %dma_start3A_167] : memref<80x128xi32, #tpu.memory_space<vmem>> -> memref<1x128xi32, #tpu.memory_space<vmem>>
        %dma_start3A_169 = tpu.memref_squeeze %dma_start3A_168 : memref<1x128xi32, #tpu.memory_space<vmem>> -> memref<128xi32, #tpu.memory_space<vmem>>
        %dma_start3A_170 = arith.constant 0 : i32
        %dma_start3A_171 = arith.constant 0 : i32
        %dma_start3A_172 = tpu.memref_slice %arg10[%dma_start3A_170, %dma_start3A_171] : memref<10240x48xf32, #tpu.memory_space<vmem_shared>> -> memref<10240x48xf32, #tpu.memory_space<vmem_shared>>
        tpu.enqueue_indirect_dma source(%dma_start3A_166 : memref<128x48xf32, #tpu.memory_space<vmem>>) target(%dma_start3A_172 : memref<10240x48xf32, #tpu.memory_space<vmem_shared>>) offsets(%dma_start3A_169 : memref<128xi32, #tpu.memory_space<vmem>>) semaphore(%run_scoped3A_162 : memref<!tpu.dma_semaphore, #tpu.memory_space<semaphore_mem>>) {add = true}
        %dma_wait3A_173 = arith.constant 0 : i32
        %dma_wait3A_174 = arith.constant 0 : i32
        %dma_wait3A_175 = tpu.memref_slice %arg9[%run_scoped3A_133, %dma_wait3A_173, %dma_wait3A_174] : memref<4x128x48xf32, #tpu.memory_space<vmem>> -> memref<1x128x48xf32, #tpu.memory_space<vmem>>
        %dma_wait3A_176 = tpu.memref_squeeze %dma_wait3A_175 : memref<1x128x48xf32, #tpu.memory_space<vmem>> -> memref<128x48xf32, #tpu.memory_space<vmem>>
        %dma_wait3A_177 = arith.constant 0 : i32
        %dma_wait3A_178 = tpu.memref_slice %arg8[%add3A_132, %dma_wait3A_177] : memref<80x128xi32, #tpu.memory_space<vmem>> -> memref<1x128xi32, #tpu.memory_space<vmem>>
        %dma_wait3A_179 = tpu.memref_squeeze %dma_wait3A_178 : memref<1x128xi32, #tpu.memory_space<vmem>> -> memref<128xi32, #tpu.memory_space<vmem>>
        %dma_wait3A_180 = arith.constant 0 : i32
        %dma_wait3A_181 = arith.constant 0 : i32
        %dma_wait3A_182 = tpu.memref_slice %arg10[%dma_wait3A_180, %dma_wait3A_181] : memref<10240x48xf32, #tpu.memory_space<vmem_shared>> -> memref<10240x48xf32, #tpu.memory_space<vmem_shared>>
        tpu.wait_indirect_dma semaphore(%run_scoped3A_162 : memref<!tpu.dma_semaphore, #tpu.memory_space<semaphore_mem>>) src(%dma_wait3A_176 : memref<128x48xf32, #tpu.memory_space<vmem>>) dst(%dma_wait3A_182 : memref<10240x48xf32, #tpu.memory_space<vmem_shared>>)
        tpu.yield
      }) : () -> ()
      %dma_wait3A_134 = arith.constant 2 : i32
      %dma_wait3A_135 = arith.constant 0 : i32
      %dma_wait3A_136 = arith.constant 0 : i32
      %dma_wait3A_137 = tpu.memref_slice %arg9[%dma_wait3A_134, %dma_wait3A_135, %dma_wait3A_136] : memref<4x128x48xf32, #tpu.memory_space<vmem>> -> memref<1x128x48xf32, #tpu.memory_space<vmem>>
      %dma_wait3A_138 = tpu.memref_squeeze %dma_wait3A_137 : memref<1x128x48xf32, #tpu.memory_space<vmem>> -> memref<128x48xf32, #tpu.memory_space<vmem>>
      %dma_wait3A_139 = arith.constant 0 : i32
      %dma_wait3A_140 = tpu.memref_slice %arg7[%add3A_82, %dma_wait3A_139] : memref<80x128xi32, #tpu.memory_space<vmem>> -> memref<1x128xi32, #tpu.memory_space<vmem>>
      %dma_wait3A_141 = tpu.memref_squeeze %dma_wait3A_140 : memref<1x128xi32, #tpu.memory_space<vmem>> -> memref<128xi32, #tpu.memory_space<vmem>>
      %dma_wait3A_142 = arith.constant 0 : i32
      %dma_wait3A_143 = arith.constant 0 : i32
      %dma_wait3A_144 = tpu.memref_slice %arg11[%dma_wait3A_142, %dma_wait3A_143] : memref<10240x48xf32, #tpu.memory_space<vmem_shared>> -> memref<10240x48xf32, #tpu.memory_space<vmem_shared>>
      tpu.wait_indirect_dma semaphore(%arg14 : memref<!tpu.dma_semaphore, #tpu.memory_space<semaphore_mem>>) src(%dma_wait3A_144 : memref<10240x48xf32, #tpu.memory_space<vmem_shared>>) dst(%dma_wait3A_138 : memref<128x48xf32, #tpu.memory_space<vmem>>)
      %add3A_145 = arith.constant 2 : i32
      %add3A_146 = arith.addi %add3A_54, %add3A_145 : i32
      %run_scoped3A_147 = arith.constant 2 : i32
      "tpu.region"() ({
        %run_scoped3A_162 = tpu.sem_alloc : memref<!tpu.dma_semaphore, #tpu.memory_space<semaphore_mem>>
        %dma_start3A_163 = arith.constant 0 : i32
        %dma_start3A_164 = arith.constant 0 : i32
        %dma_start3A_165 = tpu.memref_slice %arg9[%run_scoped3A_147, %dma_start3A_163, %dma_start3A_164] : memref<4x128x48xf32, #tpu.memory_space<vmem>> -> memref<1x128x48xf32, #tpu.memory_space<vmem>>
        %dma_start3A_166 = tpu.memref_squeeze %dma_start3A_165 : memref<1x128x48xf32, #tpu.memory_space<vmem>> -> memref<128x48xf32, #tpu.memory_space<vmem>>
        %dma_start3A_167 = arith.constant 0 : i32
        %dma_start3A_168 = tpu.memref_slice %arg8[%add3A_146, %dma_start3A_167] : memref<80x128xi32, #tpu.memory_space<vmem>> -> memref<1x128xi32, #tpu.memory_space<vmem>>
        %dma_start3A_169 = tpu.memref_squeeze %dma_start3A_168 : memref<1x128xi32, #tpu.memory_space<vmem>> -> memref<128xi32, #tpu.memory_space<vmem>>
        %dma_start3A_170 = arith.constant 0 : i32
        %dma_start3A_171 = arith.constant 0 : i32
        %dma_start3A_172 = tpu.memref_slice %arg10[%dma_start3A_170, %dma_start3A_171] : memref<10240x48xf32, #tpu.memory_space<vmem_shared>> -> memref<10240x48xf32, #tpu.memory_space<vmem_shared>>
        tpu.enqueue_indirect_dma source(%dma_start3A_166 : memref<128x48xf32, #tpu.memory_space<vmem>>) target(%dma_start3A_172 : memref<10240x48xf32, #tpu.memory_space<vmem_shared>>) offsets(%dma_start3A_169 : memref<128xi32, #tpu.memory_space<vmem>>) semaphore(%run_scoped3A_162 : memref<!tpu.dma_semaphore, #tpu.memory_space<semaphore_mem>>) {add = true}
        %dma_wait3A_173 = arith.constant 0 : i32
        %dma_wait3A_174 = arith.constant 0 : i32
        %dma_wait3A_175 = tpu.memref_slice %arg9[%run_scoped3A_147, %dma_wait3A_173, %dma_wait3A_174] : memref<4x128x48xf32, #tpu.memory_space<vmem>> -> memref<1x128x48xf32, #tpu.memory_space<vmem>>
        %dma_wait3A_176 = tpu.memref_squeeze %dma_wait3A_175 : memref<1x128x48xf32, #tpu.memory_space<vmem>> -> memref<128x48xf32, #tpu.memory_space<vmem>>
        %dma_wait3A_177 = arith.constant 0 : i32
        %dma_wait3A_178 = tpu.memref_slice %arg8[%add3A_146, %dma_wait3A_177] : memref<80x128xi32, #tpu.memory_space<vmem>> -> memref<1x128xi32, #tpu.memory_space<vmem>>
        %dma_wait3A_179 = tpu.memref_squeeze %dma_wait3A_178 : memref<1x128xi32, #tpu.memory_space<vmem>> -> memref<128xi32, #tpu.memory_space<vmem>>
        %dma_wait3A_180 = arith.constant 0 : i32
        %dma_wait3A_181 = arith.constant 0 : i32
        %dma_wait3A_182 = tpu.memref_slice %arg10[%dma_wait3A_180, %dma_wait3A_181] : memref<10240x48xf32, #tpu.memory_space<vmem_shared>> -> memref<10240x48xf32, #tpu.memory_space<vmem_shared>>
        tpu.wait_indirect_dma semaphore(%run_scoped3A_162 : memref<!tpu.dma_semaphore, #tpu.memory_space<semaphore_mem>>) src(%dma_wait3A_176 : memref<128x48xf32, #tpu.memory_space<vmem>>) dst(%dma_wait3A_182 : memref<10240x48xf32, #tpu.memory_space<vmem_shared>>)
        tpu.yield
      }) : () -> ()
      %dma_wait3A_148 = arith.constant 3 : i32
      %dma_wait3A_149 = arith.constant 0 : i32
      %dma_wait3A_150 = arith.constant 0 : i32
      %dma_wait3A_151 = tpu.memref_slice %arg9[%dma_wait3A_148, %dma_wait3A_149, %dma_wait3A_150] : memref<4x128x48xf32, #tpu.memory_space<vmem>> -> memref<1x128x48xf32, #tpu.memory_space<vmem>>
      %dma_wait3A_152 = tpu.memref_squeeze %dma_wait3A_151 : memref<1x128x48xf32, #tpu.memory_space<vmem>> -> memref<128x48xf32, #tpu.memory_space<vmem>>
      %dma_wait3A_153 = arith.constant 0 : i32
      %dma_wait3A_154 = tpu.memref_slice %arg7[%add3A_95, %dma_wait3A_153] : memref<80x128xi32, #tpu.memory_space<vmem>> -> memref<1x128xi32, #tpu.memory_space<vmem>>
      %dma_wait3A_155 = tpu.memref_squeeze %dma_wait3A_154 : memref<1x128xi32, #tpu.memory_space<vmem>> -> memref<128xi32, #tpu.memory_space<vmem>>
      %dma_wait3A_156 = arith.constant 0 : i32
      %dma_wait3A_157 = arith.constant 0 : i32
      %dma_wait3A_158 = tpu.memref_slice %arg11[%dma_wait3A_156, %dma_wait3A_157] : memref<10240x48xf32, #tpu.memory_space<vmem_shared>> -> memref<10240x48xf32, #tpu.memory_space<vmem_shared>>
      tpu.wait_indirect_dma semaphore(%arg15 : memref<!tpu.dma_semaphore, #tpu.memory_space<semaphore_mem>>) src(%dma_wait3A_158 : memref<10240x48xf32, #tpu.memory_space<vmem_shared>>) dst(%dma_wait3A_152 : memref<128x48xf32, #tpu.memory_space<vmem>>)
      %add3A_159 = arith.constant 3 : i32
      %add3A_160 = arith.addi %add3A_54, %add3A_159 : i32
      %run_scoped3A_161 = arith.constant 3 : i32
      "tpu.region"() ({
        %run_scoped3A_162 = tpu.sem_alloc : memref<!tpu.dma_semaphore, #tpu.memory_space<semaphore_mem>>
        %dma_start3A_163 = arith.constant 0 : i32
        %dma_start3A_164 = arith.constant 0 : i32
        %dma_start3A_165 = tpu.memref_slice %arg9[%run_scoped3A_161, %dma_start3A_163, %dma_start3A_164] : memref<4x128x48xf32, #tpu.memory_space<vmem>> -> memref<1x128x48xf32, #tpu.memory_space<vmem>>
        %dma_start3A_166 = tpu.memref_squeeze %dma_start3A_165 : memref<1x128x48xf32, #tpu.memory_space<vmem>> -> memref<128x48xf32, #tpu.memory_space<vmem>>
        %dma_start3A_167 = arith.constant 0 : i32
        %dma_start3A_168 = tpu.memref_slice %arg8[%add3A_160, %dma_start3A_167] : memref<80x128xi32, #tpu.memory_space<vmem>> -> memref<1x128xi32, #tpu.memory_space<vmem>>
        %dma_start3A_169 = tpu.memref_squeeze %dma_start3A_168 : memref<1x128xi32, #tpu.memory_space<vmem>> -> memref<128xi32, #tpu.memory_space<vmem>>
        %dma_start3A_170 = arith.constant 0 : i32
        %dma_start3A_171 = arith.constant 0 : i32
        %dma_start3A_172 = tpu.memref_slice %arg10[%dma_start3A_170, %dma_start3A_171] : memref<10240x48xf32, #tpu.memory_space<vmem_shared>> -> memref<10240x48xf32, #tpu.memory_space<vmem_shared>>
        tpu.enqueue_indirect_dma source(%dma_start3A_166 : memref<128x48xf32, #tpu.memory_space<vmem>>) target(%dma_start3A_172 : memref<10240x48xf32, #tpu.memory_space<vmem_shared>>) offsets(%dma_start3A_169 : memref<128xi32, #tpu.memory_space<vmem>>) semaphore(%run_scoped3A_162 : memref<!tpu.dma_semaphore, #tpu.memory_space<semaphore_mem>>) {add = true}
        %dma_wait3A_173 = arith.constant 0 : i32
        %dma_wait3A_174 = arith.constant 0 : i32
        %dma_wait3A_175 = tpu.memref_slice %arg9[%run_scoped3A_161, %dma_wait3A_173, %dma_wait3A_174] : memref<4x128x48xf32, #tpu.memory_space<vmem>> -> memref<1x128x48xf32, #tpu.memory_space<vmem>>
        %dma_wait3A_176 = tpu.memref_squeeze %dma_wait3A_175 : memref<1x128x48xf32, #tpu.memory_space<vmem>> -> memref<128x48xf32, #tpu.memory_space<vmem>>
        %dma_wait3A_177 = arith.constant 0 : i32
        %dma_wait3A_178 = tpu.memref_slice %arg8[%add3A_160, %dma_wait3A_177] : memref<80x128xi32, #tpu.memory_space<vmem>> -> memref<1x128xi32, #tpu.memory_space<vmem>>
        %dma_wait3A_179 = tpu.memref_squeeze %dma_wait3A_178 : memref<1x128xi32, #tpu.memory_space<vmem>> -> memref<128xi32, #tpu.memory_space<vmem>>
        %dma_wait3A_180 = arith.constant 0 : i32
        %dma_wait3A_181 = arith.constant 0 : i32
        %dma_wait3A_182 = tpu.memref_slice %arg10[%dma_wait3A_180, %dma_wait3A_181] : memref<10240x48xf32, #tpu.memory_space<vmem_shared>> -> memref<10240x48xf32, #tpu.memory_space<vmem_shared>>
        tpu.wait_indirect_dma semaphore(%run_scoped3A_162 : memref<!tpu.dma_semaphore, #tpu.memory_space<semaphore_mem>>) src(%dma_wait3A_176 : memref<128x48xf32, #tpu.memory_space<vmem>>) dst(%dma_wait3A_182 : memref<10240x48xf32, #tpu.memory_space<vmem_shared>>)
        tpu.yield
      }) : () -> ()
    }
    %scan3A_38 = arith.constant 20 : i32
    %barrier3A_39 = arith.constant 0 : index
    tpu.barrier barrier_id(%barrier3A_39)
    %dma_start3A_40 = arith.constant 0 : i32
    %dma_start3A_41 = tpu.memref_slice %arg6[%arg0, %mul3A_2, %dma_start3A_40] : memref<2x10240x48xf32, #tpu.memory_space<hbm>> -> memref<1x640x48xf32, #tpu.memory_space<hbm>>
    %dma_start3A_42 = tpu.memref_squeeze %dma_start3A_41 : memref<1x640x48xf32, #tpu.memory_space<hbm>> -> memref<640x48xf32, #tpu.memory_space<hbm>>
    %dma_start3A_43 = arith.constant 0 : i32
    %dma_start3A_44 = tpu.memref_slice %arg10[%mul3A_2, %dma_start3A_43] : memref<10240x48xf32, #tpu.memory_space<vmem_shared>> -> memref<640x48xf32, #tpu.memory_space<vmem_shared>>
    tpu.enqueue_dma source(%dma_start3A_44 : memref<640x48xf32, #tpu.memory_space<vmem_shared>>) target(%dma_start3A_42 : memref<640x48xf32, #tpu.memory_space<hbm>>) target_semaphore(%arg16 : memref<!tpu.dma_semaphore, #tpu.memory_space<semaphore_mem>>)
    %dma_wait3A_45 = arith.constant 0 : i32
    %dma_wait3A_46 = tpu.memref_slice %arg6[%arg0, %mul3A_2, %dma_wait3A_45] : memref<2x10240x48xf32, #tpu.memory_space<hbm>> -> memref<1x640x48xf32, #tpu.memory_space<hbm>>
    %dma_wait3A_47 = tpu.memref_squeeze %dma_wait3A_46 : memref<1x640x48xf32, #tpu.memory_space<hbm>> -> memref<640x48xf32, #tpu.memory_space<hbm>>
    %dma_wait3A_48 = arith.constant 0 : i32
    %dma_wait3A_49 = tpu.memref_slice %arg10[%mul3A_2, %dma_wait3A_48] : memref<10240x48xf32, #tpu.memory_space<vmem_shared>> -> memref<640x48xf32, #tpu.memory_space<vmem_shared>>
    tpu.wait_dma2 semaphore(%arg16 : memref<!tpu.dma_semaphore, #tpu.memory_space<semaphore_mem>>) src(%dma_wait3A_49 : memref<640x48xf32, #tpu.memory_space<vmem_shared>>) dst(%dma_wait3A_47 : memref<640x48xf32, #tpu.memory_space<hbm>>)
    return
  }
}

module attributes {stable_mosaic.version = 14 : i64} {
  func.func @_mm_body(%arg0: i32, %arg1: memref<5120x128xf32, #tpu.memory_space<vmem>>, %arg2: memref<128x128xf32, #tpu.memory_space<vmem>>, %arg3: memref<1x128xf32, #tpu.memory_space<vmem>>, %arg4: memref<5120x64xf32, #tpu.memory_space<vmem>>, %arg5: memref<5120x64xf32, #tpu.memory_space<vmem>>) attributes {dimension_semantics = [#tpu.dimension_semantics<arbitrary>], iteration_bounds = array<i64: 2>, scalar_prefetch = 0 : i64, scratch_operands = 0 : i64, tpu.core_type = #tpu.core_type<tc>, window_params = [{transform_indices = @transform_0, window_bounds = array<i64: 5120, 128>}, {pipeline_mode = #tpu.pipeline_mode<synchronous>, transform_indices = @transform_1, window_bounds = array<i64: 128, 128>}, {pipeline_mode = #tpu.pipeline_mode<synchronous>, transform_indices = @transform_2, window_bounds = array<i64: 1, 128>}, {transform_indices = @transform_3, window_bounds = array<i64: 5120, 64>}, {transform_indices = @transform_4, window_bounds = array<i64: 5120, 64>}]} {
    %get3A = arith.constant 0 : index
    %get3A_0 = arith.constant 0 : index
    %get3A_1 = vector.load %arg1[%get3A, %get3A_0] : memref<5120x128xf32, #tpu.memory_space<vmem>>, vector<5120x128xf32>
    %get3A_2 = arith.constant 0 : index
    %get3A_3 = arith.constant 0 : index
    %get3A_4 = vector.load %arg2[%get3A_2, %get3A_3] : memref<128x128xf32, #tpu.memory_space<vmem>>, vector<128x128xf32>
    %dot_general3A = arith.constant dense<0.000000e+00> : vector<5120x128xf32>
    %dot_general3A_5 = tpu.matmul %get3A_1, %get3A_4, %dot_general3A {dimension_numbers = #tpu.dot_dimension_numbers<[1], [0], [0], [1], [0, 0, 1, 1], [], []>, transpose_lhs_hint = false} : vector<5120x128xf32>, vector<128x128xf32>, vector<5120x128xf32> -> vector<5120x128xf32>
    %get3A_6 = arith.constant 0 : index
    %get3A_7 = arith.constant 0 : index
    %get3A_8 = vector.load %arg3[%get3A_6, %get3A_7] : memref<1x128xf32, #tpu.memory_space<vmem>>, vector<1x128xf32>
    %add3A = vector.broadcast %get3A_8 : vector<1x128xf32> to vector<5120x128xf32>
    %add3A_9 = arith.addf %dot_general3A_5, %add3A : vector<5120x128xf32>
    %slice3A = vector.extract_strided_slice %add3A_9 {offsets = [0, 0], sizes = [5120, 64], strides = [1, 1]} : vector<5120x128xf32> to vector<5120x64xf32>
    %swap3A = arith.constant 0 : index
    %swap3A_10 = arith.constant 0 : index
    %swap3A_11 = vector.load %arg4[%swap3A, %swap3A_10] : memref<5120x64xf32, #tpu.memory_space<vmem>>, vector<5120x64xf32>
    tpu.vector_store %arg4[%swap3A, %swap3A_10], %slice3A {strides = array<i32>} : memref<5120x64xf32, #tpu.memory_space<vmem>>, vector<5120x64xf32>,
    %slice3A_12 = vector.extract_strided_slice %add3A_9 {offsets = [0, 64], sizes = [5120, 64], strides = [1, 1]} : vector<5120x128xf32> to vector<5120x64xf32>
    %swap3A_13 = arith.constant 0 : index
    %swap3A_14 = arith.constant 0 : index
    %swap3A_15 = vector.load %arg5[%swap3A_13, %swap3A_14] : memref<5120x64xf32, #tpu.memory_space<vmem>>, vector<5120x64xf32>
    tpu.vector_store %arg5[%swap3A_13, %swap3A_14], %slice3A_12 {strides = array<i32>} : memref<5120x64xf32, #tpu.memory_space<vmem>>, vector<5120x64xf32>,
    return
  }
  func.func @transform_0(%arg0: i32) -> (i32, i32) {
    %c0_i32 = arith.constant 0 : i32
    %c0_i32_0 = arith.constant 0 : i32
    return %arg0, %c0_i32 : i32, i32
  }
  func.func @transform_1(%arg0: i32) -> (i32, i32) {
    %c0_i32 = arith.constant 0 : i32
    %c0_i32_0 = arith.constant 0 : i32
    %c0_i32_1 = arith.constant 0 : i32
    return %c0_i32, %c0_i32_0 : i32, i32
  }
  func.func @transform_2(%arg0: i32) -> (i32, i32) {
    %c0_i32 = arith.constant 0 : i32
    %c0_i32_0 = arith.constant 0 : i32
    %c0_i32_1 = arith.constant 0 : i32
    return %c0_i32, %c0_i32_0 : i32, i32
  }
  func.func @transform_3(%arg0: i32) -> (i32, i32) {
    %c0_i32 = arith.constant 0 : i32
    %c0_i32_0 = arith.constant 0 : i32
    return %arg0, %c0_i32 : i32, i32
  }
  func.func @transform_4(%arg0: i32) -> (i32, i32) {
    %c0_i32 = arith.constant 0 : i32
    %c0_i32_0 = arith.constant 0 : i32
    return %arg0, %c0_i32 : i32, i32
  }
}

module attributes {stable_mosaic.version = 14 : i64} {
  func.func @_mid_body(%arg0: i32, %arg1: memref<5120x64xf32, #tpu.memory_space<vmem>>, %arg2: memref<5120x64xf32, #tpu.memory_space<vmem>>, %arg3: memref<5120x16xf32, #tpu.memory_space<vmem>>, %arg4: memref<5120x16xf32, #tpu.memory_space<vmem>>, %arg5: memref<5120x64xf32, #tpu.memory_space<vmem>>, %arg6: memref<64x128xf32, #tpu.memory_space<vmem>>, %arg7: memref<1x128xf32, #tpu.memory_space<vmem>>, %arg8: memref<5120x48xf32, #tpu.memory_space<vmem>>, %arg9: memref<5120x40xf32, #tpu.memory_space<vmem>>) attributes {dimension_semantics = [#tpu.dimension_semantics<arbitrary>], iteration_bounds = array<i64: 2>, scalar_prefetch = 0 : i64, scratch_operands = 0 : i64, tpu.core_type = #tpu.core_type<tc>, window_params = [{transform_indices = @transform_0, window_bounds = array<i64: 5120, 64>}, {transform_indices = @transform_1, window_bounds = array<i64: 5120, 64>}, {transform_indices = @transform_2, window_bounds = array<i64: 5120, 16>}, {transform_indices = @transform_3, window_bounds = array<i64: 5120, 16>}, {transform_indices = @transform_4, window_bounds = array<i64: 5120, 64>}, {pipeline_mode = #tpu.pipeline_mode<synchronous>, transform_indices = @transform_5, window_bounds = array<i64: 64, 128>}, {pipeline_mode = #tpu.pipeline_mode<synchronous>, transform_indices = @transform_6, window_bounds = array<i64: 1, 128>}, {transform_indices = @transform_7, window_bounds = array<i64: 5120, 48>}, {transform_indices = @transform_8, window_bounds = array<i64: 5120, 40>}]} {
    %get3A = arith.constant 0 : index
    %get3A_0 = arith.constant 0 : index
    %get3A_1 = vector.load %arg3[%get3A, %get3A_0] : memref<5120x16xf32, #tpu.memory_space<vmem>>, vector<5120x16xf32>
    %slice3A = vector.extract_strided_slice %get3A_1 {offsets = [0, 0], sizes = [5120, 1], strides = [1, 1]} : vector<5120x16xf32> to vector<5120x1xf32>
    %get3A_2 = arith.constant 0 : index
    %get3A_3 = arith.constant 0 : index
    %get3A_4 = vector.load %arg4[%get3A_2, %get3A_3] : memref<5120x16xf32, #tpu.memory_space<vmem>>, vector<5120x16xf32>
    %slice3A_5 = vector.extract_strided_slice %get3A_4 {offsets = [0, 0], sizes = [5120, 1], strides = [1, 1]} : vector<5120x16xf32> to vector<5120x1xf32>
    %add3A = arith.addf %slice3A, %slice3A_5 : vector<5120x1xf32>
    %max3A = arith.constant 1.000000e+00 : f32
    %max3A_6 = vector.broadcast %max3A : f32 to vector<5120x1xf32>
    %max3A_7 = arith.maximumf %add3A, %max3A_6 : vector<5120x1xf32>
    %div3A = arith.constant 1.000000e+00 : f32
    %div3A_8 = vector.broadcast %div3A : f32 to vector<5120x1xf32>
    %div3A_9 = arith.divf %div3A_8, %max3A_7 : vector<5120x1xf32>
    %get3A_10 = arith.constant 0 : index
    %get3A_11 = arith.constant 0 : index
    %get3A_12 = vector.load %arg1[%get3A_10, %get3A_11] : memref<5120x64xf32, #tpu.memory_space<vmem>>, vector<5120x64xf32>
    %get3A_13 = arith.constant 0 : index
    %get3A_14 = arith.constant 0 : index
    %get3A_15 = vector.load %arg2[%get3A_13, %get3A_14] : memref<5120x64xf32, #tpu.memory_space<vmem>>, vector<5120x64xf32>
    %add3A_16 = arith.addf %get3A_12, %get3A_15 : vector<5120x64xf32>
    %mul3A = vector.broadcast %div3A_9 : vector<5120x1xf32> to vector<5120x64xf32>
    %mul3A_17 = arith.mulf %add3A_16, %mul3A : vector<5120x64xf32>
    %get3A_18 = arith.constant 0 : index
    %get3A_19 = arith.constant 0 : index
    %get3A_20 = vector.load %arg5[%get3A_18, %get3A_19] : memref<5120x64xf32, #tpu.memory_space<vmem>>, vector<5120x64xf32>
    %add3A_21 = arith.addf %mul3A_17, %get3A_20 : vector<5120x64xf32>
    %max3A_22 = arith.constant 0.000000e+00 : f32
    %max3A_23 = vector.broadcast %max3A_22 : f32 to vector<5120x64xf32>
    %max3A_24 = arith.maximumf %add3A_21, %max3A_23 : vector<5120x64xf32>
    %get3A_25 = arith.constant 0 : index
    %get3A_26 = arith.constant 0 : index
    %get3A_27 = vector.load %arg6[%get3A_25, %get3A_26] : memref<64x128xf32, #tpu.memory_space<vmem>>, vector<64x128xf32>
    %dot_general3A = arith.constant dense<0.000000e+00> : vector<5120x128xf32>
    %dot_general3A_28 = tpu.matmul %max3A_24, %get3A_27, %dot_general3A {dimension_numbers = #tpu.dot_dimension_numbers<[1], [0], [0], [1], [0, 0, 1, 1], [], []>, transpose_lhs_hint = false} : vector<5120x64xf32>, vector<64x128xf32>, vector<5120x128xf32> -> vector<5120x128xf32>
    %get3A_29 = arith.constant 0 : index
    %get3A_30 = arith.constant 0 : index
    %get3A_31 = vector.load %arg7[%get3A_29, %get3A_30] : memref<1x128xf32, #tpu.memory_space<vmem>>, vector<1x128xf32>
    %add3A_32 = vector.broadcast %get3A_31 : vector<1x128xf32> to vector<5120x128xf32>
    %add3A_33 = arith.addf %dot_general3A_28, %add3A_32 : vector<5120x128xf32>
    %slice3A_34 = vector.extract_strided_slice %add3A_33 {offsets = [0, 0], sizes = [5120, 48], strides = [1, 1]} : vector<5120x128xf32> to vector<5120x48xf32>
    %swap3A = arith.constant 0 : index
    %swap3A_35 = arith.constant 0 : index
    %swap3A_36 = vector.load %arg8[%swap3A, %swap3A_35] : memref<5120x48xf32, #tpu.memory_space<vmem>>, vector<5120x48xf32>
    tpu.vector_store %arg8[%swap3A, %swap3A_35], %slice3A_34 {strides = array<i32>} : memref<5120x48xf32, #tpu.memory_space<vmem>>, vector<5120x48xf32>,
    %slice3A_37 = vector.extract_strided_slice %add3A_33 {offsets = [0, 48], sizes = [5120, 40], strides = [1, 1]} : vector<5120x128xf32> to vector<5120x40xf32>
    %swap3A_38 = arith.constant 0 : index
    %swap3A_39 = arith.constant 0 : index
    %swap3A_40 = vector.load %arg9[%swap3A_38, %swap3A_39] : memref<5120x40xf32, #tpu.memory_space<vmem>>, vector<5120x40xf32>
    tpu.vector_store %arg9[%swap3A_38, %swap3A_39], %slice3A_37 {strides = array<i32>} : memref<5120x40xf32, #tpu.memory_space<vmem>>, vector<5120x40xf32>,
    return
  }
  func.func @transform_0(%arg0: i32) -> (i32, i32) {
    %c0_i32 = arith.constant 0 : i32
    %c0_i32_0 = arith.constant 0 : i32
    return %arg0, %c0_i32 : i32, i32
  }
  func.func @transform_1(%arg0: i32) -> (i32, i32) {
    %c0_i32 = arith.constant 0 : i32
    %c0_i32_0 = arith.constant 0 : i32
    return %arg0, %c0_i32 : i32, i32
  }
  func.func @transform_2(%arg0: i32) -> (i32, i32) {
    %c0_i32 = arith.constant 0 : i32
    %c0_i32_0 = arith.constant 0 : i32
    return %arg0, %c0_i32 : i32, i32
  }
  func.func @transform_3(%arg0: i32) -> (i32, i32) {
    %c0_i32 = arith.constant 0 : i32
    %c0_i32_0 = arith.constant 0 : i32
    return %arg0, %c0_i32 : i32, i32
  }
  func.func @transform_4(%arg0: i32) -> (i32, i32) {
    %c0_i32 = arith.constant 0 : i32
    %c0_i32_0 = arith.constant 0 : i32
    return %arg0, %c0_i32 : i32, i32
  }
  func.func @transform_5(%arg0: i32) -> (i32, i32) {
    %c0_i32 = arith.constant 0 : i32
    %c0_i32_0 = arith.constant 0 : i32
    %c0_i32_1 = arith.constant 0 : i32
    return %c0_i32, %c0_i32_0 : i32, i32
  }
  func.func @transform_6(%arg0: i32) -> (i32, i32) {
    %c0_i32 = arith.constant 0 : i32
    %c0_i32_0 = arith.constant 0 : i32
    %c0_i32_1 = arith.constant 0 : i32
    return %c0_i32, %c0_i32_0 : i32, i32
  }
  func.func @transform_7(%arg0: i32) -> (i32, i32) {
    %c0_i32 = arith.constant 0 : i32
    %c0_i32_0 = arith.constant 0 : i32
    return %arg0, %c0_i32 : i32, i32
  }
  func.func @transform_8(%arg0: i32) -> (i32, i32) {
    %c0_i32 = arith.constant 0 : i32
    %c0_i32_0 = arith.constant 0 : i32
    return %arg0, %c0_i32 : i32, i32
  }
}

module attributes {stable_mosaic.version = 14 : i64} {
  func.func @_final_body(%arg0: i32, %arg1: memref<5120x48xf32, #tpu.memory_space<vmem>>, %arg2: memref<5120x48xf32, #tpu.memory_space<vmem>>, %arg3: memref<5120x16xf32, #tpu.memory_space<vmem>>, %arg4: memref<5120x16xf32, #tpu.memory_space<vmem>>, %arg5: memref<5120x40xf32, #tpu.memory_space<vmem>>, %arg6: memref<5120x40xf32, #tpu.memory_space<vmem>>) attributes {dimension_semantics = [#tpu.dimension_semantics<arbitrary>], iteration_bounds = array<i64: 2>, scalar_prefetch = 0 : i64, scratch_operands = 0 : i64, tpu.core_type = #tpu.core_type<tc>, window_params = [{transform_indices = @transform_0, window_bounds = array<i64: 5120, 48>}, {transform_indices = @transform_1, window_bounds = array<i64: 5120, 48>}, {transform_indices = @transform_2, window_bounds = array<i64: 5120, 16>}, {transform_indices = @transform_3, window_bounds = array<i64: 5120, 16>}, {transform_indices = @transform_4, window_bounds = array<i64: 5120, 40>}, {transform_indices = @transform_5, window_bounds = array<i64: 5120, 40>}]} {
    %get3A = arith.constant 0 : index
    %get3A_0 = arith.constant 0 : index
    %get3A_1 = vector.load %arg3[%get3A, %get3A_0] : memref<5120x16xf32, #tpu.memory_space<vmem>>, vector<5120x16xf32>
    %slice3A = vector.extract_strided_slice %get3A_1 {offsets = [0, 0], sizes = [5120, 1], strides = [1, 1]} : vector<5120x16xf32> to vector<5120x1xf32>
    %get3A_2 = arith.constant 0 : index
    %get3A_3 = arith.constant 0 : index
    %get3A_4 = vector.load %arg4[%get3A_2, %get3A_3] : memref<5120x16xf32, #tpu.memory_space<vmem>>, vector<5120x16xf32>
    %slice3A_5 = vector.extract_strided_slice %get3A_4 {offsets = [0, 0], sizes = [5120, 1], strides = [1, 1]} : vector<5120x16xf32> to vector<5120x1xf32>
    %add3A = arith.addf %slice3A, %slice3A_5 : vector<5120x1xf32>
    %max3A = arith.constant 1.000000e+00 : f32
    %max3A_6 = vector.broadcast %max3A : f32 to vector<5120x1xf32>
    %max3A_7 = arith.maximumf %add3A, %max3A_6 : vector<5120x1xf32>
    %div3A = arith.constant 1.000000e+00 : f32
    %div3A_8 = vector.broadcast %div3A : f32 to vector<5120x1xf32>
    %div3A_9 = arith.divf %div3A_8, %max3A_7 : vector<5120x1xf32>
    %get3A_10 = arith.constant 0 : index
    %get3A_11 = arith.constant 0 : index
    %get3A_12 = vector.load %arg1[%get3A_10, %get3A_11] : memref<5120x48xf32, #tpu.memory_space<vmem>>, vector<5120x48xf32>
    %get3A_13 = arith.constant 0 : index
    %get3A_14 = arith.constant 0 : index
    %get3A_15 = vector.load %arg2[%get3A_13, %get3A_14] : memref<5120x48xf32, #tpu.memory_space<vmem>>, vector<5120x48xf32>
    %add3A_16 = arith.addf %get3A_12, %get3A_15 : vector<5120x48xf32>
    %slice3A_17 = vector.extract_strided_slice %add3A_16 {offsets = [0, 0], sizes = [5120, 40], strides = [1, 1]} : vector<5120x48xf32> to vector<5120x40xf32>
    %mul3A = vector.broadcast %div3A_9 : vector<5120x1xf32> to vector<5120x40xf32>
    %mul3A_18 = arith.mulf %slice3A_17, %mul3A : vector<5120x40xf32>
    %get3A_19 = arith.constant 0 : index
    %get3A_20 = arith.constant 0 : index
    %get3A_21 = vector.load %arg5[%get3A_19, %get3A_20] : memref<5120x40xf32, #tpu.memory_space<vmem>>, vector<5120x40xf32>
    %add3A_22 = arith.addf %mul3A_18, %get3A_21 : vector<5120x40xf32>
    %reduce_max3A = arith.constant dense<0xFF800000> : vector<5120xf32>
    %reduce_max3A_23 = vector.multi_reduction <maximumf>, %add3A_22, %reduce_max3A [1] : vector<5120x40xf32> to vector<5120xf32>
    %broadcast_in_dim3A = vector.shape_cast %reduce_max3A_23 : vector<5120xf32> to vector<5120x1xf32>
    %sub3A = vector.broadcast %broadcast_in_dim3A : vector<5120x1xf32> to vector<5120x40xf32>
    %sub3A_24 = arith.subf %add3A_22, %sub3A : vector<5120x40xf32>
    %exp3A = math.exp %sub3A_24 : vector<5120x40xf32>
    %reduce_sum3A = arith.constant dense<0.000000e+00> : vector<5120xf32>
    %reduce_sum3A_25 = vector.multi_reduction <add>, %exp3A, %reduce_sum3A [1] : vector<5120x40xf32> to vector<5120xf32>
    %broadcast_in_dim3A_26 = vector.shape_cast %reduce_sum3A_25 : vector<5120xf32> to vector<5120x1xf32>
    %log3A = math.log %broadcast_in_dim3A_26 : vector<5120x1xf32>
    %sub3A_27 = vector.broadcast %log3A : vector<5120x1xf32> to vector<5120x40xf32>
    %sub3A_28 = arith.subf %sub3A_24, %sub3A_27 : vector<5120x40xf32>
    %swap3A = arith.constant 0 : index
    %swap3A_29 = arith.constant 0 : index
    %swap3A_30 = vector.load %arg6[%swap3A, %swap3A_29] : memref<5120x40xf32, #tpu.memory_space<vmem>>, vector<5120x40xf32>
    tpu.vector_store %arg6[%swap3A, %swap3A_29], %sub3A_28 {strides = array<i32>} : memref<5120x40xf32, #tpu.memory_space<vmem>>, vector<5120x40xf32>,
    return
  }
  func.func @transform_0(%arg0: i32) -> (i32, i32) {
    %c0_i32 = arith.constant 0 : i32
    %c0_i32_0 = arith.constant 0 : i32
    return %arg0, %c0_i32 : i32, i32
  }
  func.func @transform_1(%arg0: i32) -> (i32, i32) {
    %c0_i32 = arith.constant 0 : i32
    %c0_i32_0 = arith.constant 0 : i32
    return %arg0, %c0_i32 : i32, i32
  }
  func.func @transform_2(%arg0: i32) -> (i32, i32) {
    %c0_i32 = arith.constant 0 : i32
    %c0_i32_0 = arith.constant 0 : i32
    return %arg0, %c0_i32 : i32, i32
  }
  func.func @transform_3(%arg0: i32) -> (i32, i32) {
    %c0_i32 = arith.constant 0 : i32
    %c0_i32_0 = arith.constant 0 : i32
    return %arg0, %c0_i32 : i32, i32
  }
  func.func @transform_4(%arg0: i32) -> (i32, i32) {
    %c0_i32 = arith.constant 0 : i32
    %c0_i32_0 = arith.constant 0 : i32
    return %arg0, %c0_i32 : i32, i32
  }
  func.func @transform_5(%arg0: i32) -> (i32, i32) {
    %c0_i32 = arith.constant 0 : i32
    %c0_i32_0 = arith.constant 0 : i32
    return %arg0, %c0_i32 : i32, i32
  }
}

</mosaic_0001>

<sc_bundles>
// kernel: kernel.10.cloned.1.call-start
scs
__scs_entry_jumppad:
0x0: {  	(pc) =	sbr.rel $0x88, $3  }
0x1: {  	(tag) =	ssettag $0x0;
	lr =	simm.s32 $0x1  }
0x2: {  	[smem:$0x3F99] =	sst lr;
	_ =	strace $0xD0000000  }
0x3: {  	_ = 	snop  }
0x4: {  	_ = 	snop  }
0x5: {  	_ = 	snop  }
0x6: {  	_ = 	snop  }
0x7: {  	_ = 	snop  }
__scs_overlays_trampoline_lowered:
0x8: {  	[smem:$0x3FA8] =	sst s0  }
0x9: {  	[smem:$0x3FA9] =	sst s1  }
0xa: {  	[smem:$0x3FAA] =	sst s2  }
0xb: {  	[smem:$0x3FAB] =	sst s3  }
0xc: {  	[smem:$0x3FAC] =	sst s4  }
0xd: {  	[smem:$0x3FAD] =	sst s5  }
0xe: {  	[smem:$0x3FAE] =	sst s6  }
0xf: {  	[smem:$0x3FAF] =	sst s7  }
0x10: {  	[smem:$0x3FB0] =	sst s8  }
0x11: {  	[smem:$0x3FB1] =	sst s9;
	s0 =	simm.s32 @!p0 $0x0  }
0x12: {  	s1 =	sld [smem:$0x3F97];
	s0 =	simm.s32 @p0 $0x1  }
0x13: {  	[smem:$0x3FB2] =	sst s0;
	s0 =	simm.s32 @!p1 $0x0  }
0x14: {  	s2 =	sld [smem:$0x3F96];
	s0 =	simm.s32 @p1 $0x1  }
0x15: {  	[smem:$0x3FB3] =	sst s0;
	s0 =	simm.s32 @!p2 $0x0  }
0x16: {  	s3 =	sld [smem:$0x3FDB];
	s0 =	simm.s32 @p2 $0x1  }
0x17: {  	s4 =	simm.s32 $0x1BF5;
	[smem:$0x3FB5] =	sst s0  }
0x18: {  	s0 =	sld [smem:$0x3F98];
	_ =	swait.ge [sflag:s4], $0x0  }
0x19: {  	s7 =	sld [smem:$0x3F99]  }
0x1a: {  	s8 =	sadd.s32 $0xFFFFE003, lr  }
0x1b: {  	s9 =	sadd.s32 $0xFFFFFEF7, lr;
	s5 =	simm.s32 $0xFFFFFFFF;
	p2 =	slt.u32 s8, $0xFFFFF086  }
0x1c: {  	p1 =	slt.u32 s9, $0xF7A;
	s5 =	simm.s32 @!p2 $0x0  }
0x1d: {  	s5 =	simm.s32 @p1 $0x1;
	p0 =	seq.s32 s7, s2  }
0x1e: {  	s7 =	smul.u32 @!p0 $0xF7A, s2;
	p2 =	seq.s32 @!p0 s5, $0x0  }
0x1f: {  	s9 =	smul.u32 $0xF7A, s1;
	s8 =	simm.s32 @!p0 $0x1BF5;
	p2 =	por !p2, p0  }
0x20: {  	[sflag:s8] =	ssyncset.s32 @!p0 $0xFFFFF086;
	s6 =	sadd.s32 @!p0 s3, s7;
	s7 =	simm.s32 @!p0 $0x108  }
0x21: {  	s3 =	sadd.s32 s3, s9;
	s6 =	sadd.s32 @!p0 $0x88, s6;
	s7 =	simm.s32 @p2 $0x1082  }
0x22: {  	[simem:s7], [sflag:s8] =	dma.local @!p0 [hbm:s6], $0xF7A  }
0x23: {  	s9 =	sor.u32 $0xD0000000, s2;
	s6 =	simm.s32 $0x108;
	_ =	swait.ge @!p0 [sflag:s8], $0x0  }
0x24: {  	s3 =	sadd.s32 $0x88, s3;
	s6 =	simm.s32 @!p1 $0x1082;
	[sflag:s4] =	ssyncset.s32 $0xFFFFF086  }
0x25: {  	[simem:s6], [sflag:s4] =	dma.local [hbm:s3], $0xF7A  }
0x26: {  	[smem:$0x3F99] =	sst s1;
	(tag) =	ssettag s2;
	_ =	strace s9  }
0x27: {  	s1 =	sld [smem:$0x3FA9]  }
0x28: {  	s2 =	sld [smem:$0x3FAA]  }
0x29: {  	s4 =	sld [smem:$0x3FAC]  }
0x2a: {  	p0 =	seq.s32 s5, $0x0;
	s5 =	sld [smem:$0x3FAD]  }
0x2b: {  	s6 =	sld [smem:$0x3FAE]  }
0x2c: {  	s7 =	sld [smem:$0x3FAF]  }
0x2d: {  	s3 =	simm.s32 $0x108;
	s8 =	sld [smem:$0x3FB0]  }
0x2e: {  	s3 =	simm.s32 @!p0 $0x1082;
	s9 =	sld [smem:$0x3FB1]  }
0x2f: {  	lr =	sadd.s32 s0, s3;
	s0 =	sld [smem:$0x3FA8]  }
0x30: {  	s3 =	sld [smem:$0x3FAB]  }
0x31: {  	[smem:$0x3FB4] =	sst s10  }
0x32: {  	s10 =	sld [smem:$0x3FB2];
	_ =	sdelay $0x3  }
0x33: {  	p0 =	seq.s32 s10, $0x1;
	s10 =	sld [smem:$0x3FB4];
	_ =	sdelay $0x3  }
0x34: {  	[smem:$0x3FB4] =	sst s10  }
0x35: {  	s10 =	sld [smem:$0x3FB3];
	_ =	sdelay $0x3  }
0x36: {  	p1 =	seq.s32 s10, $0x1;
	s10 =	sld [smem:$0x3FB4];
	_ =	sdelay $0x3  }
0x37: {  	[smem:$0x3FB4] =	sst s10  }
0x38: {  	s10 =	sld [smem:$0x3FB5]  }
0x39: {  	_ = 	snop;
	(pc) =	sbr.ind lr, $3  }
0x3a: {  	_ = 	snop  }
0x3b: {  	_ = 	snop  }
0x3c: {  	p2 =	seq.s32 s10, $0x1;
	s10 =	sld [smem:$0x3FB4]  }
0x3d: {  	_ =	shalt  }
0x3e: {  	_ =	shalt  }
0x3f: {  	_ =	shalt  }
0x40: {  	_ =	shalt  }
0x41: {  	_ =	shalt  }
0x42: {  	_ =	shalt  }
0x43: {  	_ =	shalt  }
0x44: {  	_ =	shalt  }
0x45: {  	_ =	shalt  }
0x46: {  	_ =	shalt  }
0x47: {  	_ =	shalt  }
0x48: {  	_ =	shalt  }
0x49: {  	_ =	shalt  }
0x4a: {  	_ =	shalt  }
0x4b: {  	_ =	shalt  }
0x4c: {  	_ =	shalt  }
0x4d: {  	_ =	shalt  }
0x4e: {  	_ =	shalt  }
0x4f: {  	_ =	shalt  }
0x50: {  	_ =	shalt  }
0x51: {  	_ =	shalt  }
0x52: {  	_ =	shalt  }
0x53: {  	_ =	shalt  }
0x54: {  	_ =	shalt  }
0x55: {  	_ =	shalt  }
0x56: {  	_ =	shalt  }
0x57: {  	_ =	shalt  }
0x58: {  	_ =	shalt  }
0x59: {  	_ =	shalt  }
0x5a: {  	_ =	shalt  }
0x5b: {  	_ =	shalt  }
0x5c: {  	_ =	shalt  }
0x5d: {  	_ =	shalt  }
0x5e: {  	_ =	shalt  }
0x5f: {  	_ =	shalt  }
0x60: {  	_ =	shalt  }
0x61: {  	_ =	shalt  }
0x62: {  	_ =	shalt  }
0x63: {  	_ =	shalt  }
0x64: {  	_ =	shalt  }
0x65: {  	_ =	shalt  }
0x66: {  	_ =	shalt  }
0x67: {  	_ =	shalt  }
0x68: {  	_ =	shalt  }
0x69: {  	_ =	shalt  }
0x6a: {  	_ =	shalt  }
0x6b: {  	_ =	shalt  }
0x6c: {  	_ =	shalt  }
0x6d: {  	_ =	shalt  }
0x6e: {  	_ =	shalt  }
0x6f: {  	_ =	shalt  }
0x70: {  	_ =	shalt  }
0x71: {  	_ =	shalt  }
0x72: {  	_ =	shalt  }
0x73: {  	_ =	shalt  }
0x74: {  	_ =	shalt  }
0x75: {  	_ =	shalt  }
0x76: {  	_ =	shalt  }
0x77: {  	_ =	shalt  }
0x78: {  	_ =	shalt  }
0x79: {  	_ =	shalt  }
0x7a: {  	_ =	shalt  }
0x7b: {  	_ =	shalt  }
0x7c: {  	_ =	shalt  }
0x7d: {  	_ =	shalt  }
0x7e: {  	_ =	shalt  }
0x7f: {  	_ =	shalt  }
0x80: {  	_ =	shalt  }
0x81: {  	_ =	shalt  }
0x82: {  	_ =	shalt  }
0x83: {  	_ =	shalt  }
0x84: {  	_ =	shalt  }
0x85: {  	_ =	shalt  }
0x86: {  	_ =	shalt  }
0x87: {  	_ =	shalt  }
.Lfunc_end0:
.L_simem_size_0:
called_computation.1_lowered:
.L_overlay_start_0:
0x88: {  	s2 =	sld [smem:$0x3FD9]  }
0x89: {  	s3 =	sld [smem:$0x3FFE];
	_ =	sdelay $0x1  }
0x8a: {  	s1 =	srdreg.scid  }
0x8b: {  	s0 =	sand.u32 $0x1, s1  }
0x8c: {  	s17 =	sshll.u32 s0, $0xA;
	s2 =	sadd.s32 s3, s2  }
0x8d: {  	s2 =	sadd.s32 s2, s17  }
0x8e: {  	[smem:$0x3FC0] =	sst s2  }
0x8f: {  	_ = 	snop  }
0x90: {  	s2 =	sld [smem:$0x3FD0];
	(tm) =	ssettm $0x1  }
0x91: {  	s18 =	sld [smem:$0x3FFB];
	_ =	sdelay $0x3  }
0x92: {  	_ =	strace s18  }
0x93: {  	s3 =	sld [smem:$0x3FFC];
	_ =	sdelay $0x3  }
0x94: {  	_ =	strace s3  }
0x95: {  	s3 =	sld [smem:$0x3FFD];
	_ =	sdelay $0x3  }
0x96: {  	_ =	strace s3  }
0x97: {  	_ =	strace $0x8FFFFFFF  }
0x98: {  	s19 =	sld [smem:$0x3FDB];
	_ =	sdelay $0x1  }
0x99: {  	s4 =	simm.s32 $_scs_section_size  }
0x9a: {  	s5 =	simm.s32 $_size__tile_overlayer_lowered;
	s6 =	simm.s32 $_tile_overlayer_lowered  }
0x9b: {  	s22 =	simm.s32 $0x1BFF;
	s21 =	sshll.u32 s6, $0x1;
	s3 =	sadd.s32 s4, s19  }
0x9c: {  	s7 =	simm.s32 $0x0;
	s20 =	sshll.u32 s5, $0x1;
	s5 =	sadd.s32 s21, s3  }
0x9d: {  	[timem:s7], [sflag:s22] =	dma.local [hbm:s5], s20  }
0x9e: {  	_ =	swait.ge [sflag:s22], s20  }
0x9f: {  	s4 =	ssub.s32 $0x0, s20;
	[sflag:s22] =	ssyncset.done $0x0  }
0xa0: {  	[sflag:s22] =	ssyncadd.s32 s4;
	_ =	sdelay $0x1  }
0xa1: {  	s23 =	simm.s32 $0x1B8B  }
0xa2: {  	_ =	swait.ge [sflag:s23], $0x1  }
0xa3: {  	[sflag:s23] =	ssyncset.done $0x0  }
0xa4: {  	s25 =	simm.s32 $0x1B8E;
	s24 =	sld [smem:$0x3FFE];
	[sflag:s23] =	ssyncadd.s32 $0xFFFFFFFF  }
0xa5: {  	s26 =	simm.s32 $execute0_lowered;
	[smem:$0x3FD2] =	sst s25  }
0xa6: {  	s5 =	sshll.u32 s26, $0x1;
	_ =	strace $0x80000049;
	[dreg:$0x1] =	wrdreg $0xFFFFFFFF  }
0xa7: {  	s28 =	simm.s32 $_size_execute0_lowered;
	s3 =	sadd.s32 s3, s5;
	[dreg:$0x0] =	wrdreg $0x0  }
0xa8: {  	s5 =	sshll.u32 s28, $0x1;
	[dreg:$0x2] =	wrdreg s3  }
0xa9: {  	[dreg:$0x3] =	wrdreg s5  }
0xaa: {  	[dreg:$0x4] =	wrdreg $0xC0  }
0xab: {  	_ =	task [dreg:s7], $0x5FFFF  }
0xac: {  	[dreg:$0x1] =	wrdreg $0xFFFFFFFF  }
0xad: {  	[dreg:$0x0] =	wrdreg $0x60  }
0xae: {  	[dreg:$0x2] =	wrdreg s24  }
0xaf: {  	[dreg:$0x3] =	wrdreg s2  }
0xb0: {  	[dreg:$0x4] =	wrdreg $0xB0000  }
0xb1: {  	[dreg:$0x5] =	wrdreg $0x128000  }
0xb2: {  	[dreg:$0x6] =	wrdreg $0x9  }
0xb3: {  	_ =	task.clear_ibuf [dreg:s7], $0x7FFFF;
	_ =	strace $0x90000049  }
0xb4: {  	s29 =	simm.s32 $0x9;
	_ =	strace $0x8000004B  }
0xb5: {  	_ =	swait.ge [sflag:s29], $0x1  }
0xb6: {  	[sflag:s29] =	ssyncadd.s32 $0xFFFFFFFF  }
0xb7: {  	_ =	strace $0x9000004B  }
0xb8: {  	_ =	sfence  }
0xb9: {  	s30 =	sld [smem:$0x0];
	_ =	sdelay $0x2  }
0xba: {  	s31 =	sshll.u32 s1, $0xD;
	s1 =	sshrl.u32 s1, $0x2  }
0xbb: {  	s3 =	sand.u32 $0x4000, s31;
	s1 =	sadd.s32 s1, s30  }
0xbc: {  	s0 =	sor.u32 s3, s0;
	s1 =	sshll.u32 s1, $0x11  }
0xbd: {  	s0 =	sor.u32 s1, s0  }
0xbe: {  	s0 =	sadd.s32 $0x8F2B, s0  }
0xbf: {  	[sflag:s0] =	ssyncadd.remote.s32 $0x1  }
0xc0: {  	_ =	sfence.sel $0xFFFF  }
0xc1: {  	[dreg:$0x0] =	wrdreg $0xFFFFFFFF;
	(pc) =	sbr.abs _section_cstart, $3  }
0xc2: {  	[dreg:$0x1] =	wrdreg $0xFFFFFFFF  }
0xc3: {  	_ =	task.clear_ibuf [dreg:s7], $0x2FFFF;
	_ =	strace $0x9FFFFFFF  }
0xc4: {  	(tm) =	ssettm $0x7FFFFFFF  }
0xc5: {  	_ =	shalt  }
tec
execute0_lowered:
.L_overlay_start_1:
0x0: {  	(tag) =	ssettag $0x1  }
0x1: {  	s0 =	rddreg [dreg:$0x0]  }
0x2: {  	s1 =	rddreg [dreg:$0x1]  }
0x3: {  	s2 =	rddreg [dreg:$0x2]  }
0x4: {  	s3 =	rddreg [dreg:$0x3]  }
0x5: {  	s11 =	stileid.u32;
	s4 =	srdreg.scid;
	s5 =	simm.s32 $0x0  }
0x6: {  	s16 =	simm.s32 $0x5;
	s17 =	simm.s32 $0x6;
	s18 =	simm.s32 $0x7  }
0x7: {  	s19 =	simm.s32 $0x8;
	s20 =	simm.s32 $0x80;
	s21 =	simm.s32 $0x5000  }
0x8: {  	s22 =	simm.s32 $0x6800;
	s23 =	simm.s32 $0x8000;
	s28 =	simm.s32 $0x2  }
0x9: {  	s29 =	simm.s32 $0x3;
	s30 =	simm.s32 $0x4;
	s31 =	simm.s32 $0x0  }
0xa: {  	s7 =	smul.u32 $0x7800, s11;
	s4 =	sand.u32 $0x1, s4;
	[smem:$0x7FF] =	sst s5  }
0xb: {  	s13 =	sshll.u32 s11, $0x6;
	s24 =	sshll.u32 s4, $0x4;
	s6 =	smul.u32 $0x78000, s4  }
0xc: {  	_ =	strace $0x8000004A;
	s4 =	ssub.s32 $0x2, s4;
	s5 =	sor.u32 s11, s24  }
0xd: {  	s8 =	sshrl.u32 s7, $0x3;
	s26 =	sshrl.u32 s4, $0x1;
	s12 =	sadd.s32 s7, s2  }
0xe: {  	s14 =	sadd.s32 s7, s3;
	s24 =	simm.s32 $0x9800;
	s9 =	smul.u32 $0x500, s5  }
0xf: {  	s25 =	sadd.s32 s7, s6;
	s8 =	sadd.s32 s8, s0;
	s4 =	ssub.s32 s4, s26  }
0x10: {  	s6 =	sor.u32 $0x1C05, s13;
	s12 =	sshrl.u32 s12, $0x3;
	s13 =	sor.u32 $0x1C06, s13  }
0x11: {  	s14 =	sshrl.u32 s14, $0x3;
	s26 =	simm.s32 $0x9;
	s5 =	sshrl.u32 s25, $0x3  }
0x12: {  	s7 =	sadd.s32 $0x2AA00, s8;
	s11 =	smax.u32 s4, $0x1;
	s25 =	simm.s32 $0x1  }
0x13: {  	s10 =	sadd.s32 s9, s0;
	s0 =	sadd.s32 s5, s0;
	s5 =	sadd.s32 $0x48A00, s8  }
0x14: {  	s8 =	sadd.s32 s1, s9;
	s9 =	sadd.s32 $0x3EA00, s10;
	s10 =	sadd.s32 $0x57A00, s0  }
.LBB2_1:
0x15: {  	[spmem:s12], [sflag:s6] =	dma.local [hbm:s5], $0xF00  }
0x16: {  	s0 =	simm.s32 $0x0  }
0x17: {  	[spmem:s14], [sflag:s13] =	dma.local [hbm:s7], $0xF00  }
0x18: {  	[tilespmem:s0], [sflag:$0x7] =	stream.linear.gather [hbm4b:s8+s0], $0x2800, $0x38;
	[tilespmem:$0x1A000] =	vst v63  }
0x19: {  	s1 =	simm.s32 $0x2800  }
0x1a: {  	[tilespmem:s1], [sflag:$0x8] =	stream.linear.gather [hbm4b:s9+s0], $0x2800, $0x38;
	[tilespmem:$0x1A000] =	vst v63  }
0x1b: {  	_ =	swait.ge [sflag:s16], $0xF00  }
0x1c: {  	[sflag:s16] =	ssyncset.done $0x0  }
0x1d: {  	[sflag:s16] =	ssyncadd.s32 $0xFFFFF100  }
0x1e: {  	_ =	swait.ge [sflag:s17], $0xF00  }
0x1f: {  	[sflag:s17] =	ssyncset.done $0x0  }
0x20: {  	[sflag:s17] =	ssyncadd.s32 $0xFFFFF100  }
0x21: {  	_ =	swait.ge [sflag:s18], $0x2800  }
0x22: {  	[sflag:s18] =	ssyncset.done $0x0  }
0x23: {  	[sflag:s18] =	ssyncadd.s32 $0xFFFFD800  }
0x24: {  	_ =	swait.ge [sflag:s19], $0x2800  }
0x25: {  	[sflag:s19] =	ssyncset.done $0x0  }
0x26: {  	[sflag:s19] =	ssyncadd.s32 $0xFFFFD800  }
0x27: {  	s4 =	simm.s32 $0x0;
	[bflag:$0x0] =	sbarrier.arrive $0xFFFF  }
0x28: {  	[tilespmem:s21], [sflag:$0x1] =	stream.indirect.gather [spmem:s3], $0x30, s4, s20, $0xb8;
	[tilespmem:$0x1A000] =	vst v63  }
0x29: {  	s15 =	simm.s32 $0x80  }
0x2a: {  	[tilespmem:s22], [sflag:$0x2] =	stream.indirect.gather [spmem:s3], $0x30, s15, s20, $0xb8;
	[tilespmem:$0x1A000] =	vst v63  }
0x2b: {  	s1 =	simm.s32 $0x100  }
0x2c: {  	[tilespmem:s23], [sflag:$0x3] =	stream.indirect.gather [spmem:s3], $0x30, s1, s20, $0xb8;
	[tilespmem:$0x1A000] =	vst v63  }
0x2d: {  	s4 =	simm.s32 $0x180  }
0x2e: {  	[tilespmem:s24], [sflag:$0x4] =	stream.indirect.gather [spmem:s3], $0x30, s4, s20, $0xb8;
	[tilespmem:$0x1A000] =	vst v63  }
0x2f: {  	_ =	swait.ge [sflag:s25], $0x1800  }
0x30: {  	[sflag:s25] =	ssyncset.done $0x0  }
0x31: {  	s15 =	simm.s32 $0x2800;
	[sflag:s25] =	ssyncadd.s32 $0xFFFFE800  }
0x32: {  	[spmem:s2] =	stream.indirect.scatter.add.f32 [tilespmem:s21], [sflag:$0x9], $0x30, s15, s20, $0xb8;
	[tilespmem:$0x1A000] =	vst v63  }
0x33: {  	_ =	swait.ge [sflag:s26], $0x1800  }
0x34: {  	[sflag:s26] =	ssyncset.done $0x0  }
0x35: {  	[sflag:s26] =	ssyncadd.s32 $0xFFFFE800  }
0x36: {  	_ =	swait.ge [sflag:s28], $0x1800  }
0x37: {  	[sflag:s28] =	ssyncset.done $0x0  }
0x38: {  	s1 =	simm.s32 $0x2880;
	[sflag:s28] =	ssyncadd.s32 $0xFFFFE800  }
0x39: {  	[spmem:s2] =	stream.indirect.scatter.add.f32 [tilespmem:s22], [sflag:$0x9], $0x30, s1, s20, $0xb8;
	[tilespmem:$0x1A000] =	vst v63  }
0x3a: {  	_ =	swait.ge [sflag:s26], $0x1800  }
0x3b: {  	[sflag:s26] =	ssyncset.done $0x0  }
0x3c: {  	[sflag:s26] =	ssyncadd.s32 $0xFFFFE800  }
0x3d: {  	_ =	swait.ge [sflag:s29], $0x1800  }
0x3e: {  	[sflag:s29] =	ssyncset.done $0x0  }
0x3f: {  	s4 =	simm.s32 $0x2900;
	[sflag:s29] =	ssyncadd.s32 $0xFFFFE800  }
0x40: {  	[spmem:s2] =	stream.indirect.scatter.add.f32 [tilespmem:s23], [sflag:$0x9], $0x30, s4, s20, $0xb8;
	[tilespmem:$0x1A000] =	vst v63  }
0x41: {  	_ =	swait.ge [sflag:s26], $0x1800  }
0x42: {  	[sflag:s26] =	ssyncset.done $0x0  }
0x43: {  	[sflag:s26] =	ssyncadd.s32 $0xFFFFE800  }
0x44: {  	_ =	swait.ge [sflag:s30], $0x1800  }
0x45: {  	[sflag:s30] =	ssyncset.done $0x0  }
0x46: {  	s15 =	simm.s32 $0x2980;
	[sflag:s30] =	ssyncadd.s32 $0xFFFFE800  }
0x47: {  	[spmem:s2] =	stream.indirect.scatter.add.f32 [tilespmem:s24], [sflag:$0x9], $0x30, s15, s20, $0xb8;
	[tilespmem:$0x1A000] =	vst v63  }
0x48: {  	_ =	swait.ge [sflag:s26], $0x1800  }
0x49: {  	s0 =	simm.s32 $0x800;
	s1 =	simm.s32 $0x1000;
	[sflag:s26] =	ssyncset.done $0x0  }
.LBB2_2:
0x4a: {  	s15 =	sshra.s32 s0, $0x2  }
0x4b: {  	[sflag:s26] =	ssyncadd.s32 $0xFFFFE800;
	s0 =	smov.u32 s1;
	s4 =	sadd.s32 $0x800, s1  }
0x4c: {  	[tilespmem:s21], [sflag:$0x1] =	stream.indirect.gather [spmem:s3], $0x30, s15, s20, $0xb8;
	[tilespmem:$0x1A000] =	vst v63  }
0x4d: {  	p0 =	sne.s32 s1, $0x9800;
	s1 =	sadd.s32 $0x80, s15  }
0x4e: {  	[tilespmem:s22], [sflag:$0x2] =	stream.indirect.gather [spmem:s3], $0x30, s1, s20, $0xb8;
	[tilespmem:$0x1A000] =	vst v63  }
0x4f: {  	s1 =	sadd.s32 $0x100, s15  }
0x50: {  	[tilespmem:s23], [sflag:$0x3] =	stream.indirect.gather [spmem:s3], $0x30, s1, s20, $0xb8;
	[tilespmem:$0x1A000] =	vst v63  }
0x51: {  	s1 =	sadd.s32 $0x180, s15  }
0x52: {  	[tilespmem:s24], [sflag:$0x4] =	stream.indirect.gather [spmem:s3], $0x30, s1, s20, $0xb8;
	[tilespmem:$0x1A000] =	vst v63  }
0x53: {  	_ =	swait.ge [sflag:s25], $0x1800  }
0x54: {  	[sflag:s25] =	ssyncset.done $0x0  }
0x55: {  	s1 =	sadd.s32 $0x2800, s15;
	[sflag:s25] =	ssyncadd.s32 $0xFFFFE800  }
0x56: {  	[spmem:s2] =	stream.indirect.scatter.add.f32 [tilespmem:s21], [sflag:$0x9], $0x30, s1, s20, $0xb8;
	[tilespmem:$0x1A000] =	vst v63  }
0x57: {  	_ =	swait.ge [sflag:s26], $0x1800  }
0x58: {  	[sflag:s26] =	ssyncset.done $0x0  }
0x59: {  	[sflag:s26] =	ssyncadd.s32 $0xFFFFE800  }
0x5a: {  	_ =	swait.ge [sflag:s28], $0x1800  }
0x5b: {  	[sflag:s28] =	ssyncset.done $0x0  }
0x5c: {  	s1 =	sadd.s32 $0x2880, s15;
	[sflag:s28] =	ssyncadd.s32 $0xFFFFE800  }
0x5d: {  	[spmem:s2] =	stream.indirect.scatter.add.f32 [tilespmem:s22], [sflag:$0x9], $0x30, s1, s20, $0xb8;
	[tilespmem:$0x1A000] =	vst v63  }
0x5e: {  	_ =	swait.ge [sflag:s26], $0x1800  }
0x5f: {  	[sflag:s26] =	ssyncset.done $0x0  }
0x60: {  	[sflag:s26] =	ssyncadd.s32 $0xFFFFE800  }
0x61: {  	_ =	swait.ge [sflag:s29], $0x1800  }
0x62: {  	[sflag:s29] =	ssyncset.done $0x0  }
0x63: {  	s1 =	sadd.s32 $0x2900, s15;
	[sflag:s29] =	ssyncadd.s32 $0xFFFFE800  }
0x64: {  	[spmem:s2] =	stream.indirect.scatter.add.f32 [tilespmem:s23], [sflag:$0x9], $0x30, s1, s20, $0xb8;
	[tilespmem:$0x1A000] =	vst v63  }
0x65: {  	_ =	swait.ge [sflag:s26], $0x1800  }
0x66: {  	[sflag:s26] =	ssyncset.done $0x0  }
0x67: {  	[sflag:s26] =	ssyncadd.s32 $0xFFFFE800  }
0x68: {  	_ =	swait.ge [sflag:s30], $0x1800  }
.Ltmp0:
0x69: {  	[sflag:s30] =	ssyncset.done $0x0;
	(pc) =	sbr.rel @p0 .LBB2_2-.Ltmp0, $4  }
0x6a: {  	s1 =	sadd.s32 $0x2980, s15;
	[sflag:s30] =	ssyncadd.s32 $0xFFFFE800  }
0x6b: {  	[spmem:s2] =	stream.indirect.scatter.add.f32 [tilespmem:s24], [sflag:$0x9], $0x30, s1, s20, $0xb8;
	[tilespmem:$0x1A000] =	vst v63  }
0x6c: {  	_ =	swait.ge [sflag:s26], $0x1800  }
0x6d: {  	s1 =	smov.u32 s4;
	[sflag:s26] =	ssyncset.done $0x0  }
0x6e: {  	s0 =	sshra.s32 s0, $0x2;
	[sflag:s26] =	ssyncadd.s32 $0xFFFFE800  }
0x6f: {  	[tilespmem:s21], [sflag:$0x1] =	stream.indirect.gather [spmem:s3], $0x30, s0, s20, $0xb8;
	[tilespmem:$0x1A000] =	vst v63  }
0x70: {  	s1 =	sadd.s32 $0x80, s0  }
0x71: {  	[tilespmem:s22], [sflag:$0x2] =	stream.indirect.gather [spmem:s3], $0x30, s1, s20, $0xb8;
	[tilespmem:$0x1A000] =	vst v63  }
0x72: {  	s15 =	sadd.s32 $0x100, s0  }
0x73: {  	[tilespmem:s23], [sflag:$0x3] =	stream.indirect.gather [spmem:s3], $0x30, s15, s20, $0xb8;
	[tilespmem:$0x1A000] =	vst v63  }
0x74: {  	s4 =	sadd.s32 $0x180, s0  }
0x75: {  	[tilespmem:s24], [sflag:$0x4] =	stream.indirect.gather [spmem:s3], $0x30, s4, s20, $0xb8;
	[tilespmem:$0x1A000] =	vst v63  }
0x76: {  	_ =	swait.ge [sflag:s25], $0x1800  }
0x77: {  	[sflag:s25] =	ssyncset.done $0x0  }
0x78: {  	s15 =	sadd.s32 $0x2800, s0;
	[sflag:s25] =	ssyncadd.s32 $0xFFFFE800  }
0x79: {  	[spmem:s2] =	stream.indirect.scatter.add.f32 [tilespmem:s21], [sflag:$0x9], $0x30, s15, s20, $0xb8;
	[tilespmem:$0x1A000] =	vst v63  }
0x7a: {  	_ =	swait.ge [sflag:s26], $0x1800  }
0x7b: {  	[sflag:s26] =	ssyncset.done $0x0  }
0x7c: {  	[sflag:s26] =	ssyncadd.s32 $0xFFFFE800  }
0x7d: {  	_ =	swait.ge [sflag:s28], $0x1800  }
0x7e: {  	[sflag:s28] =	ssyncset.done $0x0  }
0x7f: {  	s4 =	sadd.s32 $0x2880, s0;
	[sflag:s28] =	ssyncadd.s32 $0xFFFFE800  }
0x80: {  	[spmem:s2] =	stream.indirect.scatter.add.f32 [tilespmem:s22], [sflag:$0x9], $0x30, s4, s20, $0xb8;
	[tilespmem:$0x1A000] =	vst v63  }
0x81: {  	_ =	swait.ge [sflag:s26], $0x1800  }
0x82: {  	[sflag:s26] =	ssyncset.done $0x0  }
0x83: {  	[sflag:s26] =	ssyncadd.s32 $0xFFFFE800  }
0x84: {  	_ =	swait.ge [sflag:s29], $0x1800  }
0x85: {  	[sflag:s29] =	ssyncset.done $0x0  }
0x86: {  	s15 =	sadd.s32 $0x2900, s0;
	[sflag:s29] =	ssyncadd.s32 $0xFFFFE800  }
0x87: {  	[spmem:s2] =	stream.indirect.scatter.add.f32 [tilespmem:s23], [sflag:$0x9], $0x30, s15, s20, $0xb8;
	[tilespmem:$0x1A000] =	vst v63  }
0x88: {  	_ =	swait.ge [sflag:s26], $0x1800  }
0x89: {  	[sflag:s26] =	ssyncset.done $0x0  }
0x8a: {  	[sflag:s26] =	ssyncadd.s32 $0xFFFFE800  }
0x8b: {  	_ =	swait.ge [sflag:s30], $0x1800  }
0x8c: {  	[sflag:s30] =	ssyncset.done $0x0  }
0x8d: {  	s0 =	sadd.s32 $0x2980, s0;
	[sflag:s30] =	ssyncadd.s32 $0xFFFFE800  }
0x8e: {  	[spmem:s2] =	stream.indirect.scatter.add.f32 [tilespmem:s24], [sflag:$0x9], $0x30, s0, s20, $0xb8;
	[tilespmem:$0x1A000] =	vst v63  }
0x8f: {  	_ =	swait.ge [sflag:s26], $0x1800  }
0x90: {  	s31 =	sadd.s32 $0x1, s31;
	[sflag:s26] =	ssyncset.done $0x0  }
0x91: {  	p0 =	sne.s32 s31, s11;
	[sflag:s26] =	ssyncadd.s32 $0xFFFFE800  }
.Ltmp1:
0x92: {  	[bflag:$0x0] =	sbarrier.arrive $0xFFFF;
	(pc) =	sbr.rel @p0 .LBB2_1-.Ltmp1, $4  }
0x93: {  	[hbm:s10], [sflag:s6] =	dma.local [spmem:s12], $0xF00  }
0x94: {  	_ =	swait.ge [sflag:s16], $0xF00  }
0x95: {  	[sflag:s16] =	ssyncset.done $0x0  }
0x96: {  	[sflag:s16] =	ssyncadd.s32 $0xFFFFF100  }
0x97: {  	_ =	sfence.sel $0x180000  }
0x98: {  	[bflag:$0x0] =	sbarrier.arrive $0xFFFF  }
0x99: {  	_ =	strace $0x9000004A  }
0x9a: {  	s0 =	stileid.u32;
	[bflag:$0x2] =	sbarrier.arrive $0xFFFF  }
0x9b: {  	p0 =	sne.s32 s0, $0x0;
	s0 =	rddreg [dreg:$0x4]  }
0x9c: {  	s0 =	sadd.s32 @!p0 $0x100000, s0  }
0x9d: {  	[sflag:s0] =	ssyncadd.tile.s32 @!p0 $0x1;
	_ =	shalt  }
.Lfunc_end2:
_tile_overlayer_lowered:
.L_overlay_start_2:
0x9e: {  	(tag) =	ssettag $0x2  }
0x9f: {  	s0 =	rddreg [dreg:$0x0];
	s2 =	stileid.u32  }
0xa0: {  	s1 =	rddreg [dreg:$0x1];
	p0 =	sne.s32 s2, $0x0  }
0xa1: {  	s3 =	rddreg [dreg:$0x2];
	[bflag:$0x3] =	sbarrier.arrive $0xFFFF;
	s2 =	simm.s32 @!p0 $0x1C09  }
0xa2: {  	[timem:s3], [sflag:s2] =	dma.local @!p0 [hbm:s0], s1  }
0xa3: {  	s0 =	simm.s32 @!p0 $0x9  }
0xa4: {  	_ =	swait.ge @!p0 [sflag:s0], s1  }
0xa5: {  	s1 =	ssub.s32 @!p0 $0x0, s1;
	[sflag:s0] =	ssyncset.done @!p0 $0x0  }
0xa6: {  	[sflag:s0] =	ssyncadd.s32 @!p0 s1  }
0xa7: {  	[bflag:$0x3] =	sbarrier.arrive $0xFFFF  }
0xa8: {  	_ =	shalt  }

// kernel: kernel.7.cloned.1.call-start
scs
__scs_entry_jumppad:
0x0: {  	(pc) =	sbr.rel $0x88, $3  }
0x1: {  	(tag) =	ssettag $0x0;
	lr =	simm.s32 $0x1  }
0x2: {  	[smem:$0x3F99] =	sst lr;
	_ =	strace $0xD0000000  }
0x3: {  	_ = 	snop  }
0x4: {  	_ = 	snop  }
0x5: {  	_ = 	snop  }
0x6: {  	_ = 	snop  }
0x7: {  	_ = 	snop  }
__scs_overlays_trampoline_lowered:
0x8: {  	[smem:$0x3FA8] =	sst s0  }
0x9: {  	[smem:$0x3FA9] =	sst s1  }
0xa: {  	[smem:$0x3FAA] =	sst s2  }
0xb: {  	[smem:$0x3FAB] =	sst s3  }
0xc: {  	[smem:$0x3FAC] =	sst s4  }
0xd: {  	[smem:$0x3FAD] =	sst s5  }
0xe: {  	[smem:$0x3FAE] =	sst s6  }
0xf: {  	[smem:$0x3FAF] =	sst s7  }
0x10: {  	[smem:$0x3FB0] =	sst s8  }
0x11: {  	[smem:$0x3FB1] =	sst s9;
	s0 =	simm.s32 @!p0 $0x0  }
0x12: {  	s1 =	sld [smem:$0x3F97];
	s0 =	simm.s32 @p0 $0x1  }
0x13: {  	[smem:$0x3FB2] =	sst s0;
	s0 =	simm.s32 @!p1 $0x0  }
0x14: {  	s2 =	sld [smem:$0x3F96];
	s0 =	simm.s32 @p1 $0x1  }
0x15: {  	[smem:$0x3FB3] =	sst s0;
	s0 =	simm.s32 @!p2 $0x0  }
0x16: {  	s3 =	sld [smem:$0x3FDB];
	s0 =	simm.s32 @p2 $0x1  }
0x17: {  	s4 =	simm.s32 $0x1BF5;
	[smem:$0x3FB5] =	sst s0  }
0x18: {  	s0 =	sld [smem:$0x3F98];
	_ =	swait.ge [sflag:s4], $0x0  }
0x19: {  	s7 =	sld [smem:$0x3F99]  }
0x1a: {  	s8 =	sadd.s32 $0xFFFFE003, lr  }
0x1b: {  	s9 =	sadd.s32 $0xFFFFFEF7, lr;
	s5 =	simm.s32 $0xFFFFFFFF;
	p2 =	slt.u32 s8, $0xFFFFF086  }
0x1c: {  	p1 =	slt.u32 s9, $0xF7A;
	s5 =	simm.s32 @!p2 $0x0  }
0x1d: {  	s5 =	simm.s32 @p1 $0x1;
	p0 =	seq.s32 s7, s2  }
0x1e: {  	s7 =	smul.u32 @!p0 $0xF7A, s2;
	p2 =	seq.s32 @!p0 s5, $0x0  }
0x1f: {  	s9 =	smul.u32 $0xF7A, s1;
	s8 =	simm.s32 @!p0 $0x1BF5;
	p2 =	por !p2, p0  }
0x20: {  	[sflag:s8] =	ssyncset.s32 @!p0 $0xFFFFF086;
	s6 =	sadd.s32 @!p0 s3, s7;
	s7 =	simm.s32 @!p0 $0x108  }
0x21: {  	s3 =	sadd.s32 s3, s9;
	s6 =	sadd.s32 @!p0 $0x88, s6;
	s7 =	simm.s32 @p2 $0x1082  }
0x22: {  	[simem:s7], [sflag:s8] =	dma.local @!p0 [hbm:s6], $0xF7A  }
0x23: {  	s9 =	sor.u32 $0xD0000000, s2;
	s6 =	simm.s32 $0x108;
	_ =	swait.ge @!p0 [sflag:s8], $0x0  }
0x24: {  	s3 =	sadd.s32 $0x88, s3;
	s6 =	simm.s32 @!p1 $0x1082;
	[sflag:s4] =	ssyncset.s32 $0xFFFFF086  }
0x25: {  	[simem:s6], [sflag:s4] =	dma.local [hbm:s3], $0xF7A  }
0x26: {  	[smem:$0x3F99] =	sst s1;
	(tag) =	ssettag s2;
	_ =	strace s9  }
0x27: {  	s1 =	sld [smem:$0x3FA9]  }
0x28: {  	s2 =	sld [smem:$0x3FAA]  }
0x29: {  	s4 =	sld [smem:$0x3FAC]  }
0x2a: {  	p0 =	seq.s32 s5, $0x0;
	s5 =	sld [smem:$0x3FAD]  }
0x2b: {  	s6 =	sld [smem:$0x3FAE]  }
0x2c: {  	s7 =	sld [smem:$0x3FAF]  }
0x2d: {  	s3 =	simm.s32 $0x108;
	s8 =	sld [smem:$0x3FB0]  }
0x2e: {  	s3 =	simm.s32 @!p0 $0x1082;
	s9 =	sld [smem:$0x3FB1]  }
0x2f: {  	lr =	sadd.s32 s0, s3;
	s0 =	sld [smem:$0x3FA8]  }
0x30: {  	s3 =	sld [smem:$0x3FAB]  }
0x31: {  	[smem:$0x3FB4] =	sst s10  }
0x32: {  	s10 =	sld [smem:$0x3FB2];
	_ =	sdelay $0x3  }
0x33: {  	p0 =	seq.s32 s10, $0x1;
	s10 =	sld [smem:$0x3FB4];
	_ =	sdelay $0x3  }
0x34: {  	[smem:$0x3FB4] =	sst s10  }
0x35: {  	s10 =	sld [smem:$0x3FB3];
	_ =	sdelay $0x3  }
0x36: {  	p1 =	seq.s32 s10, $0x1;
	s10 =	sld [smem:$0x3FB4];
	_ =	sdelay $0x3  }
0x37: {  	[smem:$0x3FB4] =	sst s10  }
0x38: {  	s10 =	sld [smem:$0x3FB5]  }
0x39: {  	_ = 	snop;
	(pc) =	sbr.ind lr, $3  }
0x3a: {  	_ = 	snop  }
0x3b: {  	_ = 	snop  }
0x3c: {  	p2 =	seq.s32 s10, $0x1;
	s10 =	sld [smem:$0x3FB4]  }
0x3d: {  	_ =	shalt  }
0x3e: {  	_ =	shalt  }
0x3f: {  	_ =	shalt  }
0x40: {  	_ =	shalt  }
0x41: {  	_ =	shalt  }
0x42: {  	_ =	shalt  }
0x43: {  	_ =	shalt  }
0x44: {  	_ =	shalt  }
0x45: {  	_ =	shalt  }
0x46: {  	_ =	shalt  }
0x47: {  	_ =	shalt  }
0x48: {  	_ =	shalt  }
0x49: {  	_ =	shalt  }
0x4a: {  	_ =	shalt  }
0x4b: {  	_ =	shalt  }
0x4c: {  	_ =	shalt  }
0x4d: {  	_ =	shalt  }
0x4e: {  	_ =	shalt  }
0x4f: {  	_ =	shalt  }
0x50: {  	_ =	shalt  }
0x51: {  	_ =	shalt  }
0x52: {  	_ =	shalt  }
0x53: {  	_ =	shalt  }
0x54: {  	_ =	shalt  }
0x55: {  	_ =	shalt  }
0x56: {  	_ =	shalt  }
0x57: {  	_ =	shalt  }
0x58: {  	_ =	shalt  }
0x59: {  	_ =	shalt  }
0x5a: {  	_ =	shalt  }
0x5b: {  	_ =	shalt  }
0x5c: {  	_ =	shalt  }
0x5d: {  	_ =	shalt  }
0x5e: {  	_ =	shalt  }
0x5f: {  	_ =	shalt  }
0x60: {  	_ =	shalt  }
0x61: {  	_ =	shalt  }
0x62: {  	_ =	shalt  }
0x63: {  	_ =	shalt  }
0x64: {  	_ =	shalt  }
0x65: {  	_ =	shalt  }
0x66: {  	_ =	shalt  }
0x67: {  	_ =	shalt  }
0x68: {  	_ =	shalt  }
0x69: {  	_ =	shalt  }
0x6a: {  	_ =	shalt  }
0x6b: {  	_ =	shalt  }
0x6c: {  	_ =	shalt  }
0x6d: {  	_ =	shalt  }
0x6e: {  	_ =	shalt  }
0x6f: {  	_ =	shalt  }
0x70: {  	_ =	shalt  }
0x71: {  	_ =	shalt  }
0x72: {  	_ =	shalt  }
0x73: {  	_ =	shalt  }
0x74: {  	_ =	shalt  }
0x75: {  	_ =	shalt  }
0x76: {  	_ =	shalt  }
0x77: {  	_ =	shalt  }
0x78: {  	_ =	shalt  }
0x79: {  	_ =	shalt  }
0x7a: {  	_ =	shalt  }
0x7b: {  	_ =	shalt  }
0x7c: {  	_ =	shalt  }
0x7d: {  	_ =	shalt  }
0x7e: {  	_ =	shalt  }
0x7f: {  	_ =	shalt  }
0x80: {  	_ =	shalt  }
0x81: {  	_ =	shalt  }
0x82: {  	_ =	shalt  }
0x83: {  	_ =	shalt  }
0x84: {  	_ =	shalt  }
0x85: {  	_ =	shalt  }
0x86: {  	_ =	shalt  }
0x87: {  	_ =	shalt  }
.Lfunc_end0:
.L_simem_size_0:
called_computation_lowered:
.L_overlay_start_0:
0x88: {  	s2 =	sld [smem:$0x3FD9]  }
0x89: {  	s3 =	sld [smem:$0x3FFE];
	_ =	sdelay $0x1  }
0x8a: {  	s1 =	srdreg.scid  }
0x8b: {  	s0 =	sand.u32 $0x1, s1  }
0x8c: {  	s17 =	sshll.u32 s0, $0xA;
	s2 =	sadd.s32 s3, s2  }
0x8d: {  	s2 =	sadd.s32 s2, s17  }
0x8e: {  	[smem:$0x3FC0] =	sst s2  }
0x8f: {  	_ = 	snop  }
0x90: {  	s2 =	sld [smem:$0x3FD0];
	(tm) =	ssettm $0x1  }
0x91: {  	s18 =	sld [smem:$0x3FFB];
	_ =	sdelay $0x3  }
0x92: {  	_ =	strace s18  }
0x93: {  	s3 =	sld [smem:$0x3FFC];
	_ =	sdelay $0x3  }
0x94: {  	_ =	strace s3  }
0x95: {  	s3 =	sld [smem:$0x3FFD];
	_ =	sdelay $0x3  }
0x96: {  	_ =	strace s3  }
0x97: {  	_ =	strace $0x8FFFFFFF  }
0x98: {  	s19 =	sld [smem:$0x3FDB];
	_ =	sdelay $0x1  }
0x99: {  	s4 =	simm.s32 $_scs_section_size  }
0x9a: {  	s5 =	simm.s32 $_size__tile_overlayer_lowered;
	s6 =	simm.s32 $_tile_overlayer_lowered  }
0x9b: {  	s22 =	simm.s32 $0x1BFF;
	s21 =	sshll.u32 s6, $0x1;
	s3 =	sadd.s32 s4, s19  }
0x9c: {  	s7 =	simm.s32 $0x0;
	s20 =	sshll.u32 s5, $0x1;
	s5 =	sadd.s32 s21, s3  }
0x9d: {  	[timem:s7], [sflag:s22] =	dma.local [hbm:s5], s20  }
0x9e: {  	_ =	swait.ge [sflag:s22], s20  }
0x9f: {  	s4 =	ssub.s32 $0x0, s20;
	[sflag:s22] =	ssyncset.done $0x0  }
0xa0: {  	[sflag:s22] =	ssyncadd.s32 s4;
	_ =	sdelay $0x1  }
0xa1: {  	s23 =	simm.s32 $0x1B8B  }
0xa2: {  	_ =	swait.ge [sflag:s23], $0x1  }
0xa3: {  	[sflag:s23] =	ssyncset.done $0x0  }
0xa4: {  	s25 =	simm.s32 $0x1B8E;
	s24 =	sld [smem:$0x3FFE];
	[sflag:s23] =	ssyncadd.s32 $0xFFFFFFFF  }
0xa5: {  	s26 =	simm.s32 $execute0_lowered;
	[smem:$0x3FD2] =	sst s25  }
0xa6: {  	s5 =	sshll.u32 s26, $0x1;
	_ =	strace $0x80000046;
	[dreg:$0x1] =	wrdreg $0xFFFFFFFF  }
0xa7: {  	s28 =	simm.s32 $_size_execute0_lowered;
	s3 =	sadd.s32 s3, s5;
	[dreg:$0x0] =	wrdreg $0x0  }
0xa8: {  	s5 =	sshll.u32 s28, $0x1;
	[dreg:$0x2] =	wrdreg s3  }
0xa9: {  	[dreg:$0x3] =	wrdreg s5  }
0xaa: {  	[dreg:$0x4] =	wrdreg $0xC0  }
0xab: {  	_ =	task [dreg:s7], $0x5FFFF  }
0xac: {  	[dreg:$0x1] =	wrdreg $0xFFFFFFFF  }
0xad: {  	[dreg:$0x0] =	wrdreg $0x60  }
0xae: {  	[dreg:$0x2] =	wrdreg s24  }
0xaf: {  	[dreg:$0x3] =	wrdreg s2  }
0xb0: {  	[dreg:$0x4] =	wrdreg $0x90000  }
0xb1: {  	[dreg:$0x5] =	wrdreg $0x130000  }
0xb2: {  	[dreg:$0x6] =	wrdreg $0x1D8000  }
0xb3: {  	[dreg:$0x7] =	wrdreg $0x9  }
0xb4: {  	_ =	task.clear_ibuf [dreg:s7], $0x8FFFF;
	_ =	strace $0x90000046  }
0xb5: {  	s29 =	simm.s32 $0x9;
	_ =	strace $0x80000048  }
0xb6: {  	_ =	swait.ge [sflag:s29], $0x1  }
0xb7: {  	[sflag:s29] =	ssyncadd.s32 $0xFFFFFFFF  }
0xb8: {  	_ =	strace $0x90000048  }
0xb9: {  	_ =	sfence  }
0xba: {  	s30 =	sld [smem:$0x0];
	_ =	sdelay $0x2  }
0xbb: {  	s31 =	sshll.u32 s1, $0xD;
	s1 =	sshrl.u32 s1, $0x2  }
0xbc: {  	s3 =	sand.u32 $0x4000, s31;
	s1 =	sadd.s32 s1, s30  }
0xbd: {  	s0 =	sor.u32 s3, s0;
	s1 =	sshll.u32 s1, $0x11  }
0xbe: {  	s0 =	sor.u32 s1, s0  }
0xbf: {  	s0 =	sadd.s32 $0x8F2B, s0  }
0xc0: {  	[sflag:s0] =	ssyncadd.remote.s32 $0x1  }
0xc1: {  	_ =	sfence.sel $0xFFFF  }
0xc2: {  	[dreg:$0x0] =	wrdreg $0xFFFFFFFF;
	(pc) =	sbr.abs _section_cstart, $3  }
0xc3: {  	[dreg:$0x1] =	wrdreg $0xFFFFFFFF  }
0xc4: {  	_ =	task.clear_ibuf [dreg:s7], $0x2FFFF;
	_ =	strace $0x9FFFFFFF  }
0xc5: {  	(tm) =	ssettm $0x7FFFFFFF  }
tec
execute0_lowered:
.L_overlay_start_1:
0x0: {  	(tag) =	ssettag $0x1  }
0x1: {  	s0 =	rddreg [dreg:$0x0]  }
0x2: {  	s2 =	rddreg [dreg:$0x1];
	s3 =	srdreg.scid  }
0x3: {  	s1 =	rddreg [dreg:$0x2];
	s18 =	stileid.u32  }
0x4: {  	s4 =	rddreg [dreg:$0x4];
	s28 =	simm.s32 $0x7;
	s29 =	simm.s32 $0x8  }
0x5: {  	s30 =	simm.s32 $0x80;
	s31 =	simm.s32 $0x5000;
	s7 =	smul.u32 $0xA000, s18  }
0x6: {  	s6 =	sand.u32 $0x1, s3;
	s3 =	rddreg [dreg:$0x3];
	s10 =	smul.u32 $0x2800, s18  }
0x7: {  	s17 =	sadd.s32 $0x61A00, s0;
	s5 =	sshll.u32 s6, $0x4;
	s11 =	smul.u32 $0xA0000, s6  }
0x8: {  	s13 =	smul.u32 $0x28000, s6;
	s6 =	ssub.s32 $0x2, s6;
	s8 =	sor.u32 s18, s5  }
0x9: {  	s5 =	simm.s32 $0x0;
	s15 =	sshrl.u32 s7, $0x3;
	s16 =	sshrl.u32 s10, $0x3  }
0xa: {  	s21 =	sshrl.u32 s6, $0x1;
	s25 =	sadd.s32 s10, s4;
	s9 =	smul.u32 $0x500, s8  }
0xb: {  	[smem:$0x7FF] =	sst s5;
	s12 =	sadd.s32 s15, s0;
	s15 =	sadd.s32 s16, s0  }
0xc: {  	s19 =	sadd.s32 s7, s11;
	s20 =	sadd.s32 s10, s13;
	s6 =	ssub.s32 s6, s21  }
0xd: {  	s21 =	sshrl.u32 s25, $0x3;
	s25 =	simm.s32 $0x5;
	_ =	strace $0x80000047  }
0xe: {  	[dreg:$0x6] =	wrdreg s17;
	s8 =	sshrl.u32 s19, $0x3;
	s11 =	sshrl.u32 s20, $0x3  }
0xf: {  	s17 =	sadd.s32 s7, s1;
	s22 =	sadd.s32 $0x48A00, s12;
	s19 =	sshll.u32 s18, $0x6  }
0x10: {  	s7 =	sadd.s32 s7, s3;
	s23 =	sadd.s32 $0x2AA00, s12;
	s26 =	sadd.s32 $0x5CA00, s15  }
0x11: {  	s15 =	smax.u32 s6, $0x1;
	s6 =	simm.s32 $0x2;
	s14 =	sadd.s32 s9, s0  }
0x12: {  	s16 =	sadd.s32 s8, s0;
	s0 =	sadd.s32 s11, s0;
	[dreg:$0x7] =	wrdreg s22  }
0x13: {  	s8 =	sor.u32 $0x1C03, s19;
	[dreg:$0x8] =	wrdreg s23;
	s2 =	sadd.s32 s2, s9  }
0x14: {  	[dreg:$0xb] =	wrdreg s26;
	s18 =	sshrl.u32 s7, $0x3;
	s20 =	sor.u32 $0x1C07, s19  }
0x15: {  	s22 =	simm.s32 $0x1D000;
	s23 =	simm.s32 $0x3;
	s26 =	simm.s32 $0x6  }
0x16: {  	s7 =	simm.s32 $0x0;
	[dreg:$0x9] =	wrdreg s2;
	s24 =	sadd.s32 $0x3EA00, s14  }
0x17: {  	s13 =	sadd.s32 $0x6BC00, s16;
	s14 =	sadd.s32 $0x61C00, s0;
	s16 =	sshrl.u32 s17, $0x3  }
0x18: {  	s17 =	sor.u32 $0x1C04, s19;
	s2 =	simm.s32 $0x7000;
	s0 =	simm.s32 $0x1  }
0x19: {  	s19 =	simm.s32 $0x9;
	[dreg:$0xa] =	wrdreg s24;
	s24 =	simm.s32 $0x4  }
.LBB2_1:
0x1a: {  	s9 =	rddreg [dreg:$0x7]  }
0x1b: {  	[spmem:s16], [sflag:s8] =	dma.local [hbm:s9], $0x1400  }
0x1c: {  	s9 =	rddreg [dreg:$0x8]  }
0x1d: {  	[spmem:s18], [sflag:s17] =	dma.local [hbm:s9], $0x1400  }
0x1e: {  	s9 =	rddreg [dreg:$0x9]  }
0x1f: {  	s12 =	rddreg [dreg:$0xa]  }
0x20: {  	[tilespmem:s5], [sflag:$0x5] =	stream.linear.gather [hbm4b:s9+s5], $0x2800, $0x38;
	v63 =	vld [tilespmem:$0x0]  }
0x21: {  	s10 =	simm.s32 $0x2800;
	s11 =	rddreg [dreg:$0xb]  }
0x22: {  	[tilespmem:s10], [sflag:$0x6] =	stream.linear.gather [hbm4b:s12+s5], $0x2800, $0x38;
	v63 =	vld [tilespmem:$0x0]  }
0x23: {  	[spmem:s21], [sflag:s20] =	dma.local [hbm:s11], $0x500  }
0x24: {  	s9 =	rddreg [dreg:$0x6]  }
0x25: {  	[tilespmem:s22], [sflag:$0x8] =	stream.linear.gather [hbm4b:s9+s5], $0x800, $0x38;
	v63 =	vld [tilespmem:$0x0]  }
0x26: {  	_ =	swait.ge [sflag:s23], $0x1400  }
0x27: {  	[sflag:s23] =	ssyncset.done $0x0  }
0x28: {  	[sflag:s23] =	ssyncadd.s32 $0xFFFFEC00  }
0x29: {  	_ =	swait.ge [sflag:s24], $0x1400  }
0x2a: {  	[sflag:s24] =	ssyncset.done $0x0  }
0x2b: {  	[sflag:s24] =	ssyncadd.s32 $0xFFFFEC00  }
0x2c: {  	_ =	swait.ge [sflag:s25], $0x2800  }
0x2d: {  	[sflag:s25] =	ssyncset.done $0x0  }
0x2e: {  	[sflag:s25] =	ssyncadd.s32 $0xFFFFD800  }
0x2f: {  	_ =	swait.ge [sflag:s26], $0x2800  }
0x30: {  	[sflag:s26] =	ssyncset.done $0x0  }
0x31: {  	[sflag:s26] =	ssyncadd.s32 $0xFFFFD800  }
0x32: {  	_ =	swait.ge [sflag:s28], $0x500  }
0x33: {  	[sflag:s28] =	ssyncset.done $0x0  }
0x34: {  	[sflag:s28] =	ssyncadd.s32 $0xFFFFFB00  }
0x35: {  	_ =	swait.ge [sflag:s29], $0x800  }
0x36: {  	[sflag:s29] =	ssyncset.done $0x0  }
0x37: {  	[sflag:s29] =	ssyncadd.s32 $0xFFFFF800  }
0x38: {  	s12 =	simm.s32 $0x0;
	[bflag:$0x0] =	sbarrier.arrive $0xFFFF  }
0x39: {  	[tilespmem:s31], [sflag:$0x1] =	stream.indirect.gather [spmem:s3], $0x40, s12, s30, $0xb8;
	v63 =	vld [tilespmem:$0x0]  }
0x3a: {  	s10 =	simm.s32 $0x80  }
0x3b: {  	[tilespmem:s2], [sflag:$0x2] =	stream.indirect.gather [spmem:s3], $0x40, s10, s30, $0xb8;
	v63 =	vld [tilespmem:$0x0]  }
0x3c: {  	_ =	swait.ge [sflag:s0], $0x2000  }
0x3d: {  	[sflag:s0] =	ssyncset.done $0x0  }
0x3e: {  	s11 =	simm.s32 $0x2800;
	[sflag:s0] =	ssyncadd.s32 $0xFFFFE000  }
0x3f: {  	[spmem:s1] =	stream.indirect.scatter.add.f32 [tilespmem:s31], [sflag:$0x9], $0x40, s11, s30, $0xb8;
	v63 =	vld [tilespmem:$0x0]  }
0x40: {  	_ =	swait.ge [sflag:s19], $0x2000  }
0x41: {  	[sflag:s19] =	ssyncset.done $0x0  }
0x42: {  	[sflag:s19] =	ssyncadd.s32 $0xFFFFE000  }
0x43: {  	[spmem:s4] =	stream.indirect.scatter.add.f32 [tilespmem:s22], [sflag:$0x9], $0x10, s11, s30, $0xb8;
	v63 =	vld [tilespmem:$0x0]  }
0x44: {  	_ =	swait.ge [sflag:s19], $0x800  }
0x45: {  	[sflag:s19] =	ssyncset.done $0x0  }
0x46: {  	[sflag:s19] =	ssyncadd.s32 $0xFFFFF800  }
0x47: {  	_ =	swait.ge [sflag:s6], $0x2000  }
0x48: {  	[sflag:s6] =	ssyncset.done $0x0  }
0x49: {  	s12 =	simm.s32 $0x2880;
	[sflag:s6] =	ssyncadd.s32 $0xFFFFE000  }
0x4a: {  	[spmem:s1] =	stream.indirect.scatter.add.f32 [tilespmem:s2], [sflag:$0x9], $0x40, s12, s30, $0xb8;
	v63 =	vld [tilespmem:$0x0]  }
0x4b: {  	_ =	swait.ge [sflag:s19], $0x2000  }
0x4c: {  	[sflag:s19] =	ssyncset.done $0x0  }
0x4d: {  	[sflag:s19] =	ssyncadd.s32 $0xFFFFE000  }
0x4e: {  	[spmem:s4] =	stream.indirect.scatter.add.f32 [tilespmem:s22], [sflag:$0x9], $0x10, s12, s30, $0xb8;
	v63 =	vld [tilespmem:$0x0]  }
0x4f: {  	_ =	swait.ge [sflag:s19], $0x800  }
0x50: {  	s9 =	simm.s32 $0x400;
	s10 =	simm.s32 $0x800;
	[sflag:s19] =	ssyncset.done $0x0  }
.LBB2_2:
0x51: {  	s11 =	sshra.s32 s9, $0x2  }
0x52: {  	[sflag:s19] =	ssyncadd.s32 $0xFFFFF800;
	s9 =	smov.u32 s10;
	s12 =	sadd.s32 $0x400, s10  }
0x53: {  	[tilespmem:s31], [sflag:$0x1] =	stream.indirect.gather [spmem:s3], $0x40, s11, s30, $0xb8;
	v63 =	vld [tilespmem:$0x0]  }
0x54: {  	p0 =	sne.s32 s10, $0x9C00;
	s10 =	sadd.s32 $0x80, s11  }
0x55: {  	[tilespmem:s2], [sflag:$0x2] =	stream.indirect.gather [spmem:s3], $0x40, s10, s30, $0xb8;
	v63 =	vld [tilespmem:$0x0]  }
0x56: {  	_ =	swait.ge [sflag:s0], $0x2000  }
0x57: {  	[sflag:s0] =	ssyncset.done $0x0  }
0x58: {  	s10 =	sadd.s32 $0x2800, s11;
	[sflag:s0] =	ssyncadd.s32 $0xFFFFE000  }
0x59: {  	[spmem:s1] =	stream.indirect.scatter.add.f32 [tilespmem:s31], [sflag:$0x9], $0x40, s10, s30, $0xb8;
	v63 =	vld [tilespmem:$0x0]  }
0x5a: {  	_ =	swait.ge [sflag:s19], $0x2000  }
0x5b: {  	[sflag:s19] =	ssyncset.done $0x0  }
0x5c: {  	[sflag:s19] =	ssyncadd.s32 $0xFFFFE000  }
0x5d: {  	[spmem:s4] =	stream.indirect.scatter.add.f32 [tilespmem:s22], [sflag:$0x9], $0x10, s10, s30, $0xb8;
	v63 =	vld [tilespmem:$0x0]  }
0x5e: {  	_ =	swait.ge [sflag:s19], $0x800  }
0x5f: {  	[sflag:s19] =	ssyncset.done $0x0  }
0x60: {  	[sflag:s19] =	ssyncadd.s32 $0xFFFFF800  }
0x61: {  	_ =	swait.ge [sflag:s6], $0x2000  }
0x62: {  	[sflag:s6] =	ssyncset.done $0x0  }
0x63: {  	s10 =	sadd.s32 $0x2880, s11;
	[sflag:s6] =	ssyncadd.s32 $0xFFFFE000  }
0x64: {  	[spmem:s1] =	stream.indirect.scatter.add.f32 [tilespmem:s2], [sflag:$0x9], $0x40, s10, s30, $0xb8;
	v63 =	vld [tilespmem:$0x0]  }
0x65: {  	_ =	swait.ge [sflag:s19], $0x2000  }
.Ltmp0:
0x66: {  	[sflag:s19] =	ssyncset.done $0x0;
	(pc) =	sbr.rel @p0 .LBB2_2-.Ltmp0, $4  }
0x67: {  	[sflag:s19] =	ssyncadd.s32 $0xFFFFE000  }
0x68: {  	[spmem:s4] =	stream.indirect.scatter.add.f32 [tilespmem:s22], [sflag:$0x9], $0x10, s10, s30, $0xb8;
	v63 =	vld [tilespmem:$0x0]  }
0x69: {  	_ =	swait.ge [sflag:s19], $0x800  }
0x6a: {  	s10 =	smov.u32 s12;
	[sflag:s19] =	ssyncset.done $0x0  }
0x6b: {  	s9 =	sshra.s32 s9, $0x2;
	[sflag:s19] =	ssyncadd.s32 $0xFFFFF800  }
0x6c: {  	[tilespmem:s31], [sflag:$0x1] =	stream.indirect.gather [spmem:s3], $0x40, s9, s30, $0xb8;
	v63 =	vld [tilespmem:$0x0]  }
0x6d: {  	s10 =	sadd.s32 $0x80, s9  }
0x6e: {  	[tilespmem:s2], [sflag:$0x2] =	stream.indirect.gather [spmem:s3], $0x40, s10, s30, $0xb8;
	v63 =	vld [tilespmem:$0x0]  }
0x6f: {  	_ =	swait.ge [sflag:s0], $0x2000  }
0x70: {  	[sflag:s0] =	ssyncset.done $0x0  }
0x71: {  	s12 =	sadd.s32 $0x2800, s9;
	[sflag:s0] =	ssyncadd.s32 $0xFFFFE000  }
0x72: {  	[spmem:s1] =	stream.indirect.scatter.add.f32 [tilespmem:s31], [sflag:$0x9], $0x40, s12, s30, $0xb8;
	v63 =	vld [tilespmem:$0x0]  }
0x73: {  	_ =	swait.ge [sflag:s19], $0x2000  }
0x74: {  	[sflag:s19] =	ssyncset.done $0x0  }
0x75: {  	[sflag:s19] =	ssyncadd.s32 $0xFFFFE000  }
0x76: {  	[spmem:s4] =	stream.indirect.scatter.add.f32 [tilespmem:s22], [sflag:$0x9], $0x10, s12, s30, $0xb8;
	v63 =	vld [tilespmem:$0x0]  }
0x77: {  	_ =	swait.ge [sflag:s19], $0x800  }
0x78: {  	[sflag:s19] =	ssyncset.done $0x0  }
0x79: {  	[sflag:s19] =	ssyncadd.s32 $0xFFFFF800  }
0x7a: {  	_ =	swait.ge [sflag:s6], $0x2000  }
0x7b: {  	[sflag:s6] =	ssyncset.done $0x0  }
0x7c: {  	s9 =	sadd.s32 $0x2880, s9;
	[sflag:s6] =	ssyncadd.s32 $0xFFFFE000  }
0x7d: {  	[spmem:s1] =	stream.indirect.scatter.add.f32 [tilespmem:s2], [sflag:$0x9], $0x40, s9, s30, $0xb8;
	v63 =	vld [tilespmem:$0x0]  }
0x7e: {  	_ =	swait.ge [sflag:s19], $0x2000  }
0x7f: {  	[sflag:s19] =	ssyncset.done $0x0  }
0x80: {  	[sflag:s19] =	ssyncadd.s32 $0xFFFFE000  }
0x81: {  	[spmem:s4] =	stream.indirect.scatter.add.f32 [tilespmem:s22], [sflag:$0x9], $0x10, s9, s30, $0xb8;
	v63 =	vld [tilespmem:$0x0]  }
0x82: {  	_ =	swait.ge [sflag:s19], $0x800  }
0x83: {  	[sflag:s19] =	ssyncset.done $0x0  }
0x84: {  	[sflag:s19] =	ssyncadd.s32 $0xFFFFF800  }
0x85: {  	s7 =	sadd.s32 $0x1, s7;
	[bflag:$0x0] =	sbarrier.arrive $0xFFFF  }
0x86: {  	[hbm:s13], [sflag:s8] =	dma.local [spmem:s16], $0x1400  }
0x87: {  	[hbm:s14], [sflag:s17] =	dma.local [spmem:s21], $0x500  }
0x88: {  	p0 =	sne.s32 s7, s15;
	_ =	swait.ge [sflag:s23], $0x1400  }
.Ltmp1:
0x89: {  	[sflag:s23] =	ssyncset.done $0x0;
	(pc) =	sbr.rel @p0 .LBB2_1-.Ltmp1, $4  }
0x8a: {  	[sflag:s23] =	ssyncadd.s32 $0xFFFFEC00  }
0x8b: {  	_ =	swait.ge [sflag:s24], $0x500  }
0x8c: {  	[sflag:s24] =	ssyncset.done $0x0  }
0x8d: {  	[sflag:s24] =	ssyncadd.s32 $0xFFFFFB00  }
0x8e: {  	_ =	sfence.sel $0x180000  }
0x8f: {  	[bflag:$0x0] =	sbarrier.arrive $0xFFFF  }
0x90: {  	_ =	strace $0x90000047  }
0x91: {  	s0 =	stileid.u32;
	[bflag:$0x2] =	sbarrier.arrive $0xFFFF  }
0x92: {  	p0 =	sne.s32 s0, $0x0;
	s0 =	rddreg [dreg:$0x5]  }
0x93: {  	s0 =	sadd.s32 @!p0 $0x100000, s0  }
0x94: {  	[sflag:s0] =	ssyncadd.tile.s32 @!p0 $0x1;
	_ =	shalt  }
.Lfunc_end2:
_tile_overlayer_lowered:
.L_overlay_start_2:
0x95: {  	(tag) =	ssettag $0x2  }
0x96: {  	s0 =	rddreg [dreg:$0x0];
	s2 =	stileid.u32  }
0x97: {  	s1 =	rddreg [dreg:$0x1];
	p0 =	sne.s32 s2, $0x0  }
0x98: {  	s3 =	rddreg [dreg:$0x2];
	[bflag:$0x3] =	sbarrier.arrive $0xFFFF;
	s2 =	simm.s32 @!p0 $0x1C09  }
0x99: {  	[timem:s3], [sflag:s2] =	dma.local @!p0 [hbm:s0], s1  }
0x9a: {  	s0 =	simm.s32 @!p0 $0x9  }
0x9b: {  	_ =	swait.ge @!p0 [sflag:s0], s1  }
0x9c: {  	s1 =	ssub.s32 @!p0 $0x0, s1;
	[sflag:s0] =	ssyncset.done @!p0 $0x0  }
0x9d: {  	[sflag:s0] =	ssyncadd.s32 @!p0 s1  }
0x9e: {  	[bflag:$0x3] =	sbarrier.arrive $0xFFFF  }
0x9f: {  	_ =	shalt  }

</sc_bundles>
